<compile_context>
chip_gen: v7x
topology: tpu7x:2x2x1
jax: 0.10.2.dev20260603
libtpu: 0.0.44.dev20260713+nightly
codegen_flags: <defaults>
</compile_context>

<pallas_src>
import functools

import jax
import jax.numpy as jnp
from jax import lax
from jax.experimental import pallas as pl
from jax.experimental.pallas import tpu as pltpu
from jax.experimental.pallas import tpu_sc as plsc

B, S, D = 4, 8192, 1024
W = 4096
NC, NS, L = 2, 16, 16
NW = NC * NS
ROWS_PER_W = (B * W) // NW
CHUNK = 8
NCHUNK = ROWS_PER_W // CHUNK
NBUF = 8

_mesh = plsc.VectorSubcoreMesh(core_axis_name="c", subcore_axis_name="s")


@functools.partial(
    pl.kernel,
    out_type=jax.ShapeDtypeStruct((B * W, D), jnp.float32),
    mesh=_mesh,
    scratch_types=[
        pltpu.VMEM((ROWS_PER_W,), jnp.int32),
        pltpu.VMEM((NBUF, CHUNK, D), jnp.float32),
    ] + [pltpu.SemaphoreType.DMA] * (2 * NBUF + 1),
)
def _gather_rows(table_hbm, idx_hbm, out_hbm, idx_v, rows_v, *sems):
    wid = lax.axis_index("s") * NC + lax.axis_index("c")
    base = wid * ROWS_PER_W
    gsem = list(sems[:NBUF])
    osem = list(sems[NBUF : 2 * NBUF])
    isem = sems[2 * NBUF]

    GIDX = NBUF * CHUNK
    NGROUP = NCHUNK // NBUF
    off = (base // W) * S + 1

    def stage_idx(g):
        return pltpu.async_copy(
            idx_hbm.at[pl.ds(base + g * GIDX, GIDX)],
            idx_v.at[pl.ds(g * GIDX, GIDX)],
            isem,
        )

    def wait_idx():
        pltpu.make_async_copy(
            idx_hbm.at[pl.ds(base, GIDX)], idx_v.at[pl.ds(0, GIDX)], isem
        ).wait()

    def add_off(g):
        for i in range(GIDX // L):
            sl = pl.ds(g * GIDX + i * L, L)
            idx_v[sl] = idx_v[sl] + off

    stage_idx(0)
    wait_idx()
    add_off(0)

    def start_gather(c, buf):
        return pltpu.async_copy(
            table_hbm.at[idx_v.at[pl.ds(c * CHUNK, CHUNK)]],
            rows_v.at[buf],
            gsem[buf],
        )

    def start_write(c, buf):
        return pltpu.async_copy(
            rows_v.at[buf],
            out_hbm.at[pl.ds(base + c * CHUNK, CHUNK)],
            osem[buf],
        )

    def wait_gather(buf):
        pltpu.make_async_copy(table_hbm.at[pl.ds(0, CHUNK)], rows_v.at[buf], gsem[buf]).wait()

    def wait_write(buf):
        pltpu.make_async_copy(table_hbm.at[pl.ds(0, CHUNK)], rows_v.at[buf], osem[buf]).wait()

    for b in range(NBUF):
        start_gather(b, b)
    stage_idx(1)

    @pl.loop(0, NGROUP - 1)
    def _pipe(g):
        wait_idx()
        add_off(g + 1)

        @pl.when(g + 2 < NGROUP)
        def _prefetch():
            stage_idx(g + 2)

        for b in range(NBUF):
            c = g * NBUF + b
            wait_gather(b)
            start_write(c, b)
            wait_write(b)
            start_gather(c + NBUF, b)

    for b in range(NBUF):
        c = NCHUNK - NBUF + b
        wait_gather(b)
        start_write(c, b)
    for b in range(NBUF):
        wait_write(b)


def kernel(outputs, word_index, word_attention_mask):
    table = outputs.reshape(B * S, D)
    idx = word_index.astype(jnp.int32).reshape(B * W)
    gathered = _gather_rows(table, idx)
    return gathered.reshape(B, W, D), word_attention_mask

# --- scband reference (transcript-rebuilt; emitter-appended) ---
"""Pipeline reference for scband-words-only-22351009808814 (READ-ONLY COPY).

The authoritative reference and input builder live on the scoring server;
editing this copy changes nothing except your own understanding.
"""

import jax, jax.numpy as jnp
import numpy as np


def setup_inputs(seed: int = 0) -> dict:
    key = jax.random.key(seed)
    k1, k2 = jax.random.split(key, 2)
    outputs = jax.random.normal(k1, (4, 8192, 1024), dtype=jnp.float32)
    word_index = jax.random.randint(k2, (4, 4096), 0, 8190, dtype=jnp.int64)
    word_attention_mask = jnp.ones((4, 4096), dtype=jnp.bool_)
    return {"outputs": outputs, "word_index": word_index, "word_attention_mask": word_attention_mask}


def reference(outputs, word_index, word_attention_mask):
    # `outputs` here is the last_hidden_state tensor of the upstream encoder.
    hidden = outputs[:, 1:-1, :]  # drop [CLS]/[SEP] positions -> [B, S-2, D]
    # torch.gather(hidden, dim=1, index=word_index.unsqueeze(-1).expand(-1, -1, D))
    gathered = jnp.take_along_axis(hidden, word_index[:, :, None], axis=1)  # [B, W, D]
    # Dropout is identity in eval mode.
    return (gathered, word_attention_mask)

if __name__ == "__main__":
    import jax
    _d = setup_inputs()
    print(jax.jit(kernel)(*tuple(_d.values())))

</pallas_src>

<mosaic_0001>
#map = affine_map<(d0, d1) -> (0, 0)>
#map1 = affine_map<(d0, d1) -> (0)>
module attributes {stable_mosaic.version = 14 : i64} {
  func.func @_gather_rows(%arg0: i32, %arg1: i32, %arg2: memref<32768x1024xf32, #tpu.memory_space<hbm>>, %arg3: memref<16384xi32, #tpu.memory_space<hbm>>, %arg4: memref<16384x1024xf32, #tpu.memory_space<hbm>>, %arg5: memref<512xi32, #tpu.memory_space<vmem>>, %arg6: memref<8x8x1024xf32, #tpu.memory_space<vmem>>, %arg7: memref<!tpu.dma_semaphore, #tpu.memory_space<semaphore_mem>>, %arg8: memref<!tpu.dma_semaphore, #tpu.memory_space<semaphore_mem>>, %arg9: memref<!tpu.dma_semaphore, #tpu.memory_space<semaphore_mem>>, %arg10: memref<!tpu.dma_semaphore, #tpu.memory_space<semaphore_mem>>, %arg11: memref<!tpu.dma_semaphore, #tpu.memory_space<semaphore_mem>>, %arg12: memref<!tpu.dma_semaphore, #tpu.memory_space<semaphore_mem>>, %arg13: memref<!tpu.dma_semaphore, #tpu.memory_space<semaphore_mem>>, %arg14: memref<!tpu.dma_semaphore, #tpu.memory_space<semaphore_mem>>, %arg15: memref<!tpu.dma_semaphore, #tpu.memory_space<semaphore_mem>>, %arg16: memref<!tpu.dma_semaphore, #tpu.memory_space<semaphore_mem>>, %arg17: memref<!tpu.dma_semaphore, #tpu.memory_space<semaphore_mem>>, %arg18: memref<!tpu.dma_semaphore, #tpu.memory_space<semaphore_mem>>, %arg19: memref<!tpu.dma_semaphore, #tpu.memory_space<semaphore_mem>>, %arg20: memref<!tpu.dma_semaphore, #tpu.memory_space<semaphore_mem>>, %arg21: memref<!tpu.dma_semaphore, #tpu.memory_space<semaphore_mem>>, %arg22: memref<!tpu.dma_semaphore, #tpu.memory_space<semaphore_mem>>, %arg23: memref<!tpu.dma_semaphore, #tpu.memory_space<semaphore_mem>>) attributes {dimension_semantics = [#tpu.dimension_semantics<core_parallel>, #tpu.dimension_semantics<subcore_parallel>], iteration_bounds = array<i64: 2, 16>, scalar_prefetch = 0 : i64, scratch_operands = 19 : i64, tpu.core_type = #tpu.core_type<sc_vector_subcore>, window_params = [{transform_indices = #map}, {transform_indices = #map1}, {transform_indices = #map}]} {
    %mul3A = arith.constant 2 : i32
    %mul3A_0 = arith.muli %arg1, %mul3A : i32
    %add3A = arith.addi %mul3A_0, %arg0 : i32
    %mul3A_1 = arith.constant 512 : i32
    %mul3A_2 = arith.muli %add3A, %mul3A_1 : i32
    %jit3A = arith.constant 4096 : i32
    %div3A = arith.divsi %mul3A_2, %jit3A : i32
    %sign3A = arith.constant 0 : i32
    %sign3A_3 = arith.cmpi sgt, %mul3A_2, %sign3A : i32
    %sign3A_4 = arith.extui %sign3A_3 : i1 to i32
    %sign3A_5 = arith.constant 0 : i32
    %sign3A_6 = arith.cmpi slt, %mul3A_2, %sign3A_5 : i32
    %sign3A_7 = arith.extui %sign3A_6 : i1 to i32
    %sign3A_8 = arith.subi %sign3A_4, %sign3A_7 : i32
    %sign3A_9 = arith.constant 0 : i32
    %sign3A_10 = arith.cmpi sgt, %jit3A, %sign3A_9 : i32
    %sign3A_11 = arith.extui %sign3A_10 : i1 to i32
    %sign3A_12 = arith.constant 0 : i32
    %sign3A_13 = arith.cmpi slt, %jit3A, %sign3A_12 : i32
    %sign3A_14 = arith.extui %sign3A_13 : i1 to i32
    %sign3A_15 = arith.subi %sign3A_11, %sign3A_14 : i32
    %ne3A = arith.cmpi ne, %sign3A_8, %sign3A_15 : i32
    %rem3A = arith.remsi %mul3A_2, %jit3A : i32
    %ne3A_16 = arith.constant 0 : i32
    %ne3A_17 = arith.cmpi ne, %rem3A, %ne3A_16 : i32
    %and3A = arith.andi %ne3A, %ne3A_17 : i1
    %sub3A = arith.constant 1 : i32
    %sub3A_18 = arith.subi %div3A, %sub3A : i32
    %select_n3A = arith.select %and3A, %sub3A_18, %div3A : i32
    %mul3A_19 = arith.constant 8192 : i32
    %mul3A_20 = arith.muli %select_n3A, %mul3A_19 : i32
    %add3A_21 = arith.constant 1 : i32
    %add3A_22 = arith.addi %mul3A_20, %add3A_21 : i32
    %add3A_23 = arith.constant 0 : i32
    %add3A_24 = arith.addi %mul3A_2, %add3A_23 : i32
    %dma_start3A = arith.constant 0 : i32
    %dma_start3A_25 = tpu.memref_slice %arg5[%dma_start3A] : memref<512xi32, #tpu.memory_space<vmem>> -> memref<64xi32, #tpu.memory_space<vmem>>
    %dma_start3A_26 = tpu.memref_slice %arg3[%add3A_24] : memref<16384xi32, #tpu.memory_space<hbm>> -> memref<64xi32, #tpu.memory_space<hbm>>
    %dma_start3A_27 = arith.constant 0 : i32
    %dma_start3A_28 = tpu.memref_slice %arg5[%dma_start3A_27] : memref<512xi32, #tpu.memory_space<vmem>> -> memref<64xi32, #tpu.memory_space<vmem>>
    %dma_start3A_29 = tpu.memref_slice %arg3[%add3A_24] : memref<16384xi32, #tpu.memory_space<hbm>> -> memref<64xi32, #tpu.memory_space<hbm>>
    tpu.enqueue_dma source(%dma_start3A_29 : memref<64xi32, #tpu.memory_space<hbm>>) target(%dma_start3A_28 : memref<64xi32, #tpu.memory_space<vmem>>) target_semaphore(%arg23 : memref<!tpu.dma_semaphore, #tpu.memory_space<semaphore_mem>>)
    %dma_wait3A = arith.constant 0 : i32
    %dma_wait3A_30 = tpu.memref_slice %arg5[%dma_wait3A] : memref<512xi32, #tpu.memory_space<vmem>> -> memref<64xi32, #tpu.memory_space<vmem>>
    %dma_wait3A_31 = tpu.memref_slice %arg3[%mul3A_2] : memref<16384xi32, #tpu.memory_space<hbm>> -> memref<64xi32, #tpu.memory_space<hbm>>
    %dma_wait3A_32 = arith.constant 0 : i32
    %dma_wait3A_33 = tpu.memref_slice %arg5[%dma_wait3A_32] : memref<512xi32, #tpu.memory_space<vmem>> -> memref<64xi32, #tpu.memory_space<vmem>>
    %dma_wait3A_34 = tpu.memref_slice %arg3[%mul3A_2] : memref<16384xi32, #tpu.memory_space<hbm>> -> memref<64xi32, #tpu.memory_space<hbm>>
    tpu.wait_dma2 semaphore(%arg23 : memref<!tpu.dma_semaphore, #tpu.memory_space<semaphore_mem>>) src(%dma_wait3A_34 : memref<64xi32, #tpu.memory_space<hbm>>) dst(%dma_wait3A_33 : memref<64xi32, #tpu.memory_space<vmem>>)
    %get3A = arith.constant 0 : index
    %get3A_35 = tpu.vector_load %arg5[%get3A] {strides = array<i32>} : memref<512xi32, #tpu.memory_space<vmem>>, vector<16xi32>,
    %get3A_36 = vector.shape_cast %get3A_35 : vector<16xi32> to vector<16xi32>
    %add3A_37 = vector.broadcast %add3A_22 : i32 to vector<16xi32>
    %add3A_38 = arith.addi %get3A_36, %add3A_37 : vector<16xi32>
    %swap3A = arith.constant 0 : index
    %swap3A_39 = tpu.vector_load %arg5[%swap3A] {strides = array<i32>} : memref<512xi32, #tpu.memory_space<vmem>>, vector<16xi32>,
    %swap3A_40 = vector.shape_cast %swap3A_39 : vector<16xi32> to vector<16xi32>
    %swap3A_41 = vector.shape_cast %add3A_38 : vector<16xi32> to vector<16xi32>
    tpu.vector_store %arg5[%swap3A], %swap3A_41 {strides = array<i32>} : memref<512xi32, #tpu.memory_space<vmem>>, vector<16xi32>,
    %get3A_42 = arith.constant 16 : index
    %get3A_43 = tpu.vector_load %arg5[%get3A_42] {strides = array<i32>} : memref<512xi32, #tpu.memory_space<vmem>>, vector<16xi32>,
    %get3A_44 = vector.shape_cast %get3A_43 : vector<16xi32> to vector<16xi32>
    %add3A_45 = vector.broadcast %add3A_22 : i32 to vector<16xi32>
    %add3A_46 = arith.addi %get3A_44, %add3A_45 : vector<16xi32>
    %swap3A_47 = arith.constant 16 : index
    %swap3A_48 = tpu.vector_load %arg5[%swap3A_47] {strides = array<i32>} : memref<512xi32, #tpu.memory_space<vmem>>, vector<16xi32>,
    %swap3A_49 = vector.shape_cast %swap3A_48 : vector<16xi32> to vector<16xi32>
    %swap3A_50 = vector.shape_cast %add3A_46 : vector<16xi32> to vector<16xi32>
    tpu.vector_store %arg5[%swap3A_47], %swap3A_50 {strides = array<i32>} : memref<512xi32, #tpu.memory_space<vmem>>, vector<16xi32>,
    %get3A_51 = arith.constant 32 : index
    %get3A_52 = tpu.vector_load %arg5[%get3A_51] {strides = array<i32>} : memref<512xi32, #tpu.memory_space<vmem>>, vector<16xi32>,
    %get3A_53 = vector.shape_cast %get3A_52 : vector<16xi32> to vector<16xi32>
    %add3A_54 = vector.broadcast %add3A_22 : i32 to vector<16xi32>
    %add3A_55 = arith.addi %get3A_53, %add3A_54 : vector<16xi32>
    %swap3A_56 = arith.constant 32 : index
    %swap3A_57 = tpu.vector_load %arg5[%swap3A_56] {strides = array<i32>} : memref<512xi32, #tpu.memory_space<vmem>>, vector<16xi32>,
    %swap3A_58 = vector.shape_cast %swap3A_57 : vector<16xi32> to vector<16xi32>
    %swap3A_59 = vector.shape_cast %add3A_55 : vector<16xi32> to vector<16xi32>
    tpu.vector_store %arg5[%swap3A_56], %swap3A_59 {strides = array<i32>} : memref<512xi32, #tpu.memory_space<vmem>>, vector<16xi32>,
    %get3A_60 = arith.constant 48 : index
    %get3A_61 = tpu.vector_load %arg5[%get3A_60] {strides = array<i32>} : memref<512xi32, #tpu.memory_space<vmem>>, vector<16xi32>,
    %get3A_62 = vector.shape_cast %get3A_61 : vector<16xi32> to vector<16xi32>
    %add3A_63 = vector.broadcast %add3A_22 : i32 to vector<16xi32>
    %add3A_64 = arith.addi %get3A_62, %add3A_63 : vector<16xi32>
    %swap3A_65 = arith.constant 48 : index
    %swap3A_66 = tpu.vector_load %arg5[%swap3A_65] {strides = array<i32>} : memref<512xi32, #tpu.memory_space<vmem>>, vector<16xi32>,
    %swap3A_67 = vector.shape_cast %swap3A_66 : vector<16xi32> to vector<16xi32>
    %swap3A_68 = vector.shape_cast %add3A_64 : vector<16xi32> to vector<16xi32>
    tpu.vector_store %arg5[%swap3A_65], %swap3A_68 {strides = array<i32>} : memref<512xi32, #tpu.memory_space<vmem>>, vector<16xi32>,
    %dma_start3A_69 = arith.constant 0 : i32
    %dma_start3A_70 = arith.constant 0 : i32
    %dma_start3A_71 = arith.constant 0 : i32
    %dma_start3A_72 = tpu.memref_slice %arg6[%dma_start3A_69, %dma_start3A_70, %dma_start3A_71] : memref<8x8x1024xf32, #tpu.memory_space<vmem>> -> memref<1x8x1024xf32, #tpu.memory_space<vmem>>
    %dma_start3A_73 = tpu.memref_squeeze %dma_start3A_72 : memref<1x8x1024xf32, #tpu.memory_space<vmem>> -> memref<8x1024xf32, #tpu.memory_space<vmem>>
    %dma_start3A_74 = arith.constant 0 : i32
    %dma_start3A_75 = tpu.memref_slice %arg5[%dma_start3A_74] : memref<512xi32, #tpu.memory_space<vmem>> -> memref<8xi32, #tpu.memory_space<vmem>>
    %dma_start3A_76 = arith.constant 0 : i32
    %dma_start3A_77 = arith.constant 0 : i32
    %dma_start3A_78 = tpu.memref_slice %arg2[%dma_start3A_76, %dma_start3A_77] : memref<32768x1024xf32, #tpu.memory_space<hbm>> -> memref<32768x1024xf32, #tpu.memory_space<hbm>>
    tpu.enqueue_indirect_dma source(%dma_start3A_78 : memref<32768x1024xf32, #tpu.memory_space<hbm>>) target(%dma_start3A_73 : memref<8x1024xf32, #tpu.memory_space<vmem>>) offsets(%dma_start3A_75 : memref<8xi32, #tpu.memory_space<vmem>>) semaphore(%arg7 : memref<!tpu.dma_semaphore, #tpu.memory_space<semaphore_mem>>)
    %dma_start3A_79 = arith.constant 1 : i32
    %dma_start3A_80 = arith.constant 0 : i32
    %dma_start3A_81 = arith.constant 0 : i32
    %dma_start3A_82 = tpu.memref_slice %arg6[%dma_start3A_79, %dma_start3A_80, %dma_start3A_81] : memref<8x8x1024xf32, #tpu.memory_space<vmem>> -> memref<1x8x1024xf32, #tpu.memory_space<vmem>>
    %dma_start3A_83 = tpu.memref_squeeze %dma_start3A_82 : memref<1x8x1024xf32, #tpu.memory_space<vmem>> -> memref<8x1024xf32, #tpu.memory_space<vmem>>
    %dma_start3A_84 = arith.constant 8 : i32
    %dma_start3A_85 = tpu.memref_slice %arg5[%dma_start3A_84] : memref<512xi32, #tpu.memory_space<vmem>> -> memref<8xi32, #tpu.memory_space<vmem>>
    %dma_start3A_86 = arith.constant 0 : i32
    %dma_start3A_87 = arith.constant 0 : i32
    %dma_start3A_88 = tpu.memref_slice %arg2[%dma_start3A_86, %dma_start3A_87] : memref<32768x1024xf32, #tpu.memory_space<hbm>> -> memref<32768x1024xf32, #tpu.memory_space<hbm>>
    tpu.enqueue_indirect_dma source(%dma_start3A_88 : memref<32768x1024xf32, #tpu.memory_space<hbm>>) target(%dma_start3A_83 : memref<8x1024xf32, #tpu.memory_space<vmem>>) offsets(%dma_start3A_85 : memref<8xi32, #tpu.memory_space<vmem>>) semaphore(%arg8 : memref<!tpu.dma_semaphore, #tpu.memory_space<semaphore_mem>>)
    %dma_start3A_89 = arith.constant 2 : i32
    %dma_start3A_90 = arith.constant 0 : i32
    %dma_start3A_91 = arith.constant 0 : i32
    %dma_start3A_92 = tpu.memref_slice %arg6[%dma_start3A_89, %dma_start3A_90, %dma_start3A_91] : memref<8x8x1024xf32, #tpu.memory_space<vmem>> -> memref<1x8x1024xf32, #tpu.memory_space<vmem>>
    %dma_start3A_93 = tpu.memref_squeeze %dma_start3A_92 : memref<1x8x1024xf32, #tpu.memory_space<vmem>> -> memref<8x1024xf32, #tpu.memory_space<vmem>>
    %dma_start3A_94 = arith.constant 16 : i32
    %dma_start3A_95 = tpu.memref_slice %arg5[%dma_start3A_94] : memref<512xi32, #tpu.memory_space<vmem>> -> memref<8xi32, #tpu.memory_space<vmem>>
    %dma_start3A_96 = arith.constant 0 : i32
    %dma_start3A_97 = arith.constant 0 : i32
    %dma_start3A_98 = tpu.memref_slice %arg2[%dma_start3A_96, %dma_start3A_97] : memref<32768x1024xf32, #tpu.memory_space<hbm>> -> memref<32768x1024xf32, #tpu.memory_space<hbm>>
    tpu.enqueue_indirect_dma source(%dma_start3A_98 : memref<32768x1024xf32, #tpu.memory_space<hbm>>) target(%dma_start3A_93 : memref<8x1024xf32, #tpu.memory_space<vmem>>) offsets(%dma_start3A_95 : memref<8xi32, #tpu.memory_space<vmem>>) semaphore(%arg9 : memref<!tpu.dma_semaphore, #tpu.memory_space<semaphore_mem>>)
    %dma_start3A_99 = arith.constant 3 : i32
    %dma_start3A_100 = arith.constant 0 : i32
    %dma_start3A_101 = arith.constant 0 : i32
    %dma_start3A_102 = tpu.memref_slice %arg6[%dma_start3A_99, %dma_start3A_100, %dma_start3A_101] : memref<8x8x1024xf32, #tpu.memory_space<vmem>> -> memref<1x8x1024xf32, #tpu.memory_space<vmem>>
    %dma_start3A_103 = tpu.memref_squeeze %dma_start3A_102 : memref<1x8x1024xf32, #tpu.memory_space<vmem>> -> memref<8x1024xf32, #tpu.memory_space<vmem>>
    %dma_start3A_104 = arith.constant 24 : i32
    %dma_start3A_105 = tpu.memref_slice %arg5[%dma_start3A_104] : memref<512xi32, #tpu.memory_space<vmem>> -> memref<8xi32, #tpu.memory_space<vmem>>
    %dma_start3A_106 = arith.constant 0 : i32
    %dma_start3A_107 = arith.constant 0 : i32
    %dma_start3A_108 = tpu.memref_slice %arg2[%dma_start3A_106, %dma_start3A_107] : memref<32768x1024xf32, #tpu.memory_space<hbm>> -> memref<32768x1024xf32, #tpu.memory_space<hbm>>
    tpu.enqueue_indirect_dma source(%dma_start3A_108 : memref<32768x1024xf32, #tpu.memory_space<hbm>>) target(%dma_start3A_103 : memref<8x1024xf32, #tpu.memory_space<vmem>>) offsets(%dma_start3A_105 : memref<8xi32, #tpu.memory_space<vmem>>) semaphore(%arg10 : memref<!tpu.dma_semaphore, #tpu.memory_space<semaphore_mem>>)
    %dma_start3A_109 = arith.constant 4 : i32
    %dma_start3A_110 = arith.constant 0 : i32
    %dma_start3A_111 = arith.constant 0 : i32
    %dma_start3A_112 = tpu.memref_slice %arg6[%dma_start3A_109, %dma_start3A_110, %dma_start3A_111] : memref<8x8x1024xf32, #tpu.memory_space<vmem>> -> memref<1x8x1024xf32, #tpu.memory_space<vmem>>
    %dma_start3A_113 = tpu.memref_squeeze %dma_start3A_112 : memref<1x8x1024xf32, #tpu.memory_space<vmem>> -> memref<8x1024xf32, #tpu.memory_space<vmem>>
    %dma_start3A_114 = arith.constant 32 : i32
    %dma_start3A_115 = tpu.memref_slice %arg5[%dma_start3A_114] : memref<512xi32, #tpu.memory_space<vmem>> -> memref<8xi32, #tpu.memory_space<vmem>>
    %dma_start3A_116 = arith.constant 0 : i32
    %dma_start3A_117 = arith.constant 0 : i32
    %dma_start3A_118 = tpu.memref_slice %arg2[%dma_start3A_116, %dma_start3A_117] : memref<32768x1024xf32, #tpu.memory_space<hbm>> -> memref<32768x1024xf32, #tpu.memory_space<hbm>>
    tpu.enqueue_indirect_dma source(%dma_start3A_118 : memref<32768x1024xf32, #tpu.memory_space<hbm>>) target(%dma_start3A_113 : memref<8x1024xf32, #tpu.memory_space<vmem>>) offsets(%dma_start3A_115 : memref<8xi32, #tpu.memory_space<vmem>>) semaphore(%arg11 : memref<!tpu.dma_semaphore, #tpu.memory_space<semaphore_mem>>)
    %dma_start3A_119 = arith.constant 5 : i32
    %dma_start3A_120 = arith.constant 0 : i32
    %dma_start3A_121 = arith.constant 0 : i32
    %dma_start3A_122 = tpu.memref_slice %arg6[%dma_start3A_119, %dma_start3A_120, %dma_start3A_121] : memref<8x8x1024xf32, #tpu.memory_space<vmem>> -> memref<1x8x1024xf32, #tpu.memory_space<vmem>>
    %dma_start3A_123 = tpu.memref_squeeze %dma_start3A_122 : memref<1x8x1024xf32, #tpu.memory_space<vmem>> -> memref<8x1024xf32, #tpu.memory_space<vmem>>
    %dma_start3A_124 = arith.constant 40 : i32
    %dma_start3A_125 = tpu.memref_slice %arg5[%dma_start3A_124] : memref<512xi32, #tpu.memory_space<vmem>> -> memref<8xi32, #tpu.memory_space<vmem>>
    %dma_start3A_126 = arith.constant 0 : i32
    %dma_start3A_127 = arith.constant 0 : i32
    %dma_start3A_128 = tpu.memref_slice %arg2[%dma_start3A_126, %dma_start3A_127] : memref<32768x1024xf32, #tpu.memory_space<hbm>> -> memref<32768x1024xf32, #tpu.memory_space<hbm>>
    tpu.enqueue_indirect_dma source(%dma_start3A_128 : memref<32768x1024xf32, #tpu.memory_space<hbm>>) target(%dma_start3A_123 : memref<8x1024xf32, #tpu.memory_space<vmem>>) offsets(%dma_start3A_125 : memref<8xi32, #tpu.memory_space<vmem>>) semaphore(%arg12 : memref<!tpu.dma_semaphore, #tpu.memory_space<semaphore_mem>>)
    %dma_start3A_129 = arith.constant 6 : i32
    %dma_start3A_130 = arith.constant 0 : i32
    %dma_start3A_131 = arith.constant 0 : i32
    %dma_start3A_132 = tpu.memref_slice %arg6[%dma_start3A_129, %dma_start3A_130, %dma_start3A_131] : memref<8x8x1024xf32, #tpu.memory_space<vmem>> -> memref<1x8x1024xf32, #tpu.memory_space<vmem>>
    %dma_start3A_133 = tpu.memref_squeeze %dma_start3A_132 : memref<1x8x1024xf32, #tpu.memory_space<vmem>> -> memref<8x1024xf32, #tpu.memory_space<vmem>>
    %dma_start3A_134 = arith.constant 48 : i32
    %dma_start3A_135 = tpu.memref_slice %arg5[%dma_start3A_134] : memref<512xi32, #tpu.memory_space<vmem>> -> memref<8xi32, #tpu.memory_space<vmem>>
    %dma_start3A_136 = arith.constant 0 : i32
    %dma_start3A_137 = arith.constant 0 : i32
    %dma_start3A_138 = tpu.memref_slice %arg2[%dma_start3A_136, %dma_start3A_137] : memref<32768x1024xf32, #tpu.memory_space<hbm>> -> memref<32768x1024xf32, #tpu.memory_space<hbm>>
    tpu.enqueue_indirect_dma source(%dma_start3A_138 : memref<32768x1024xf32, #tpu.memory_space<hbm>>) target(%dma_start3A_133 : memref<8x1024xf32, #tpu.memory_space<vmem>>) offsets(%dma_start3A_135 : memref<8xi32, #tpu.memory_space<vmem>>) semaphore(%arg13 : memref<!tpu.dma_semaphore, #tpu.memory_space<semaphore_mem>>)
    %dma_start3A_139 = arith.constant 7 : i32
    %dma_start3A_140 = arith.constant 0 : i32
    %dma_start3A_141 = arith.constant 0 : i32
    %dma_start3A_142 = tpu.memref_slice %arg6[%dma_start3A_139, %dma_start3A_140, %dma_start3A_141] : memref<8x8x1024xf32, #tpu.memory_space<vmem>> -> memref<1x8x1024xf32, #tpu.memory_space<vmem>>
    %dma_start3A_143 = tpu.memref_squeeze %dma_start3A_142 : memref<1x8x1024xf32, #tpu.memory_space<vmem>> -> memref<8x1024xf32, #tpu.memory_space<vmem>>
    %dma_start3A_144 = arith.constant 56 : i32
    %dma_start3A_145 = tpu.memref_slice %arg5[%dma_start3A_144] : memref<512xi32, #tpu.memory_space<vmem>> -> memref<8xi32, #tpu.memory_space<vmem>>
    %dma_start3A_146 = arith.constant 0 : i32
    %dma_start3A_147 = arith.constant 0 : i32
    %dma_start3A_148 = tpu.memref_slice %arg2[%dma_start3A_146, %dma_start3A_147] : memref<32768x1024xf32, #tpu.memory_space<hbm>> -> memref<32768x1024xf32, #tpu.memory_space<hbm>>
    tpu.enqueue_indirect_dma source(%dma_start3A_148 : memref<32768x1024xf32, #tpu.memory_space<hbm>>) target(%dma_start3A_143 : memref<8x1024xf32, #tpu.memory_space<vmem>>) offsets(%dma_start3A_145 : memref<8xi32, #tpu.memory_space<vmem>>) semaphore(%arg14 : memref<!tpu.dma_semaphore, #tpu.memory_space<semaphore_mem>>)
    %add3A_149 = arith.constant 64 : i32
    %add3A_150 = arith.addi %mul3A_2, %add3A_149 : i32
    %dma_start3A_151 = arith.constant 64 : i32
    %dma_start3A_152 = tpu.memref_slice %arg5[%dma_start3A_151] : memref<512xi32, #tpu.memory_space<vmem>> -> memref<64xi32, #tpu.memory_space<vmem>>
    %dma_start3A_153 = tpu.memref_slice %arg3[%add3A_150] : memref<16384xi32, #tpu.memory_space<hbm>> -> memref<64xi32, #tpu.memory_space<hbm>>
    %dma_start3A_154 = arith.constant 64 : i32
    %dma_start3A_155 = tpu.memref_slice %arg5[%dma_start3A_154] : memref<512xi32, #tpu.memory_space<vmem>> -> memref<64xi32, #tpu.memory_space<vmem>>
    %dma_start3A_156 = tpu.memref_slice %arg3[%add3A_150] : memref<16384xi32, #tpu.memory_space<hbm>> -> memref<64xi32, #tpu.memory_space<hbm>>
    tpu.enqueue_dma source(%dma_start3A_156 : memref<64xi32, #tpu.memory_space<hbm>>) target(%dma_start3A_155 : memref<64xi32, #tpu.memory_space<vmem>>) target_semaphore(%arg23 : memref<!tpu.dma_semaphore, #tpu.memory_space<semaphore_mem>>)
    %scan3A = arith.constant 0 : i32
    %scan3A_157 = arith.constant 7 : i32
    %scan3A_158 = arith.addi %scan3A, %scan3A_157 : i32
    %scan3A_159 = arith.constant 1 : i32
    scf.for %scan3A_521 = %scan3A to %scan3A_158 step %scan3A_159  : i32 {
      %mul3A_522 = arith.constant 1 : i32
      %mul3A_523 = arith.muli %scan3A_521, %mul3A_522 : i32
      %add3A_524 = arith.constant 0 : i32
      %add3A_525 = arith.addi %add3A_524, %mul3A_523 : i32
      %dma_wait3A_526 = arith.constant 0 : i32
      %dma_wait3A_527 = tpu.memref_slice %arg5[%dma_wait3A_526] : memref<512xi32, #tpu.memory_space<vmem>> -> memref<64xi32, #tpu.memory_space<vmem>>
      %dma_wait3A_528 = tpu.memref_slice %arg3[%mul3A_2] : memref<16384xi32, #tpu.memory_space<hbm>> -> memref<64xi32, #tpu.memory_space<hbm>>
      %dma_wait3A_529 = arith.constant 0 : i32
      %dma_wait3A_530 = tpu.memref_slice %arg5[%dma_wait3A_529] : memref<512xi32, #tpu.memory_space<vmem>> -> memref<64xi32, #tpu.memory_space<vmem>>
      %dma_wait3A_531 = tpu.memref_slice %arg3[%mul3A_2] : memref<16384xi32, #tpu.memory_space<hbm>> -> memref<64xi32, #tpu.memory_space<hbm>>
      tpu.wait_dma2 semaphore(%arg23 : memref<!tpu.dma_semaphore, #tpu.memory_space<semaphore_mem>>) src(%dma_wait3A_531 : memref<64xi32, #tpu.memory_space<hbm>>) dst(%dma_wait3A_530 : memref<64xi32, #tpu.memory_space<vmem>>)
      %add3A_532 = arith.constant 1 : i32
      %add3A_533 = arith.addi %add3A_525, %add3A_532 : i32
      %mul3A_534 = arith.constant 64 : i32
      %mul3A_535 = arith.muli %add3A_533, %mul3A_534 : i32
      %add3A_536 = arith.constant 0 : i32
      %add3A_537 = arith.addi %mul3A_535, %add3A_536 : i32
      %get3A_538 = arith.index_cast %add3A_537 : i32 to index
      %get3A_539 = tpu.vector_load %arg5[%get3A_538] {strides = array<i32>} : memref<512xi32, #tpu.memory_space<vmem>>, vector<16xi32>,
      %get3A_540 = vector.shape_cast %get3A_539 : vector<16xi32> to vector<16xi32>
      %add3A_541 = vector.broadcast %add3A_22 : i32 to vector<16xi32>
      %add3A_542 = arith.addi %get3A_540, %add3A_541 : vector<16xi32>
      %swap3A_543 = arith.index_cast %add3A_537 : i32 to index
      %swap3A_544 = tpu.vector_load %arg5[%swap3A_543] {strides = array<i32>} : memref<512xi32, #tpu.memory_space<vmem>>, vector<16xi32>,
      %swap3A_545 = vector.shape_cast %swap3A_544 : vector<16xi32> to vector<16xi32>
      %swap3A_546 = vector.shape_cast %add3A_542 : vector<16xi32> to vector<16xi32>
      tpu.vector_store %arg5[%swap3A_543], %swap3A_546 {strides = array<i32>} : memref<512xi32, #tpu.memory_space<vmem>>, vector<16xi32>,
      %mul3A_547 = arith.constant 64 : i32
      %mul3A_548 = arith.muli %add3A_533, %mul3A_547 : i32
      %add3A_549 = arith.constant 16 : i32
      %add3A_550 = arith.addi %mul3A_548, %add3A_549 : i32
      %get3A_551 = arith.index_cast %add3A_550 : i32 to index
      %get3A_552 = tpu.vector_load %arg5[%get3A_551] {strides = array<i32>} : memref<512xi32, #tpu.memory_space<vmem>>, vector<16xi32>,
      %get3A_553 = vector.shape_cast %get3A_552 : vector<16xi32> to vector<16xi32>
      %add3A_554 = vector.broadcast %add3A_22 : i32 to vector<16xi32>
      %add3A_555 = arith.addi %get3A_553, %add3A_554 : vector<16xi32>
      %swap3A_556 = arith.index_cast %add3A_550 : i32 to index
      %swap3A_557 = tpu.vector_load %arg5[%swap3A_556] {strides = array<i32>} : memref<512xi32, #tpu.memory_space<vmem>>, vector<16xi32>,
      %swap3A_558 = vector.shape_cast %swap3A_557 : vector<16xi32> to vector<16xi32>
      %swap3A_559 = vector.shape_cast %add3A_555 : vector<16xi32> to vector<16xi32>
      tpu.vector_store %arg5[%swap3A_556], %swap3A_559 {strides = array<i32>} : memref<512xi32, #tpu.memory_space<vmem>>, vector<16xi32>,
      %mul3A_560 = arith.constant 64 : i32
      %mul3A_561 = arith.muli %add3A_533, %mul3A_560 : i32
      %add3A_562 = arith.constant 32 : i32
      %add3A_563 = arith.addi %mul3A_561, %add3A_562 : i32
      %get3A_564 = arith.index_cast %add3A_563 : i32 to index
      %get3A_565 = tpu.vector_load %arg5[%get3A_564] {strides = array<i32>} : memref<512xi32, #tpu.memory_space<vmem>>, vector<16xi32>,
      %get3A_566 = vector.shape_cast %get3A_565 : vector<16xi32> to vector<16xi32>
      %add3A_567 = vector.broadcast %add3A_22 : i32 to vector<16xi32>
      %add3A_568 = arith.addi %get3A_566, %add3A_567 : vector<16xi32>
      %swap3A_569 = arith.index_cast %add3A_563 : i32 to index
      %swap3A_570 = tpu.vector_load %arg5[%swap3A_569] {strides = array<i32>} : memref<512xi32, #tpu.memory_space<vmem>>, vector<16xi32>,
      %swap3A_571 = vector.shape_cast %swap3A_570 : vector<16xi32> to vector<16xi32>
      %swap3A_572 = vector.shape_cast %add3A_568 : vector<16xi32> to vector<16xi32>
      tpu.vector_store %arg5[%swap3A_569], %swap3A_572 {strides = array<i32>} : memref<512xi32, #tpu.memory_space<vmem>>, vector<16xi32>,
      %mul3A_573 = arith.constant 64 : i32
      %mul3A_574 = arith.muli %add3A_533, %mul3A_573 : i32
      %add3A_575 = arith.constant 48 : i32
      %add3A_576 = arith.addi %mul3A_574, %add3A_575 : i32
      %get3A_577 = arith.index_cast %add3A_576 : i32 to index
      %get3A_578 = tpu.vector_load %arg5[%get3A_577] {strides = array<i32>} : memref<512xi32, #tpu.memory_space<vmem>>, vector<16xi32>,
      %get3A_579 = vector.shape_cast %get3A_578 : vector<16xi32> to vector<16xi32>
      %add3A_580 = vector.broadcast %add3A_22 : i32 to vector<16xi32>
      %add3A_581 = arith.addi %get3A_579, %add3A_580 : vector<16xi32>
      %swap3A_582 = arith.index_cast %add3A_576 : i32 to index
      %swap3A_583 = tpu.vector_load %arg5[%swap3A_582] {strides = array<i32>} : memref<512xi32, #tpu.memory_space<vmem>>, vector<16xi32>,
      %swap3A_584 = vector.shape_cast %swap3A_583 : vector<16xi32> to vector<16xi32>
      %swap3A_585 = vector.shape_cast %add3A_581 : vector<16xi32> to vector<16xi32>
      tpu.vector_store %arg5[%swap3A_582], %swap3A_585 {strides = array<i32>} : memref<512xi32, #tpu.memory_space<vmem>>, vector<16xi32>,
      %add3A_586 = arith.constant 2 : i32
      %add3A_587 = arith.addi %add3A_525, %add3A_586 : i32
      %lt3A = arith.constant 8 : i32
      %lt3A_588 = arith.cmpi slt, %add3A_587, %lt3A : i32
      %convert_element_type3A = arith.extui %lt3A_588 : i1 to i32
      %cond3A = arith.constant 0 : i32
      %cond3A_589 = arith.cmpi ne, %convert_element_type3A, %cond3A : i32
      scf.if %cond3A_589 {
        %add3A_1094 = arith.constant 2 : i32
        %add3A_1095 = arith.addi %add3A_525, %add3A_1094 : i32
        %mul3A_1096 = arith.constant 64 : i32
        %mul3A_1097 = arith.muli %add3A_1095, %mul3A_1096 : i32
        %add3A_1098 = arith.addi %mul3A_2, %mul3A_1097 : i32
        %mul3A_1099 = arith.constant 64 : i32
        %mul3A_1100 = arith.muli %add3A_1095, %mul3A_1099 : i32
        %dma_start3A_1101 = tpu.memref_slice %arg5[%mul3A_1100] : memref<512xi32, #tpu.memory_space<vmem>> -> memref<64xi32, #tpu.memory_space<vmem>>
        %dma_start3A_1102 = tpu.memref_slice %arg3[%add3A_1098] : memref<16384xi32, #tpu.memory_space<hbm>> -> memref<64xi32, #tpu.memory_space<hbm>>
        %dma_start3A_1103 = tpu.memref_slice %arg5[%mul3A_1100] : memref<512xi32, #tpu.memory_space<vmem>> -> memref<64xi32, #tpu.memory_space<vmem>>
        %dma_start3A_1104 = tpu.memref_slice %arg3[%add3A_1098] : memref<16384xi32, #tpu.memory_space<hbm>> -> memref<64xi32, #tpu.memory_space<hbm>>
        tpu.enqueue_dma source(%dma_start3A_1104 : memref<64xi32, #tpu.memory_space<hbm>>) target(%dma_start3A_1103 : memref<64xi32, #tpu.memory_space<vmem>>) target_semaphore(%arg23 : memref<!tpu.dma_semaphore, #tpu.memory_space<semaphore_mem>>)
      } else {
      }
      %mul3A_590 = arith.constant 8 : i32
      %mul3A_591 = arith.muli %add3A_525, %mul3A_590 : i32
      %add3A_592 = arith.constant 0 : i32
      %add3A_593 = arith.addi %mul3A_591, %add3A_592 : i32
      %dma_wait3A_594 = arith.constant 0 : i32
      %dma_wait3A_595 = arith.constant 0 : i32
      %dma_wait3A_596 = arith.constant 0 : i32
      %dma_wait3A_597 = tpu.memref_slice %arg6[%dma_wait3A_594, %dma_wait3A_595, %dma_wait3A_596] : memref<8x8x1024xf32, #tpu.memory_space<vmem>> -> memref<1x8x1024xf32, #tpu.memory_space<vmem>>
      %dma_wait3A_598 = tpu.memref_squeeze %dma_wait3A_597 : memref<1x8x1024xf32, #tpu.memory_space<vmem>> -> memref<8x1024xf32, #tpu.memory_space<vmem>>
      %dma_wait3A_599 = arith.constant 0 : i32
      %dma_wait3A_600 = arith.constant 0 : i32
      %dma_wait3A_601 = tpu.memref_slice %arg2[%dma_wait3A_599, %dma_wait3A_600] : memref<32768x1024xf32, #tpu.memory_space<hbm>> -> memref<8x1024xf32, #tpu.memory_space<hbm>>
      %dma_wait3A_602 = arith.constant 0 : i32
      %dma_wait3A_603 = arith.constant 0 : i32
      %dma_wait3A_604 = tpu.memref_slice %arg6[%dma_wait3A_594, %dma_wait3A_602, %dma_wait3A_603] : memref<8x8x1024xf32, #tpu.memory_space<vmem>> -> memref<1x8x1024xf32, #tpu.memory_space<vmem>>
      %dma_wait3A_605 = tpu.memref_squeeze %dma_wait3A_604 : memref<1x8x1024xf32, #tpu.memory_space<vmem>> -> memref<8x1024xf32, #tpu.memory_space<vmem>>
      %dma_wait3A_606 = arith.constant 0 : i32
      %dma_wait3A_607 = arith.constant 0 : i32
      %dma_wait3A_608 = tpu.memref_slice %arg2[%dma_wait3A_606, %dma_wait3A_607] : memref<32768x1024xf32, #tpu.memory_space<hbm>> -> memref<8x1024xf32, #tpu.memory_space<hbm>>
      tpu.wait_dma2 semaphore(%arg7 : memref<!tpu.dma_semaphore, #tpu.memory_space<semaphore_mem>>) src(%dma_wait3A_608 : memref<8x1024xf32, #tpu.memory_space<hbm>>) dst(%dma_wait3A_605 : memref<8x1024xf32, #tpu.memory_space<vmem>>)
      %mul3A_609 = arith.constant 8 : i32
      %mul3A_610 = arith.muli %add3A_593, %mul3A_609 : i32
      %add3A_611 = arith.addi %mul3A_2, %mul3A_610 : i32
      %dma_start3A_612 = arith.constant 0 : i32
      %dma_start3A_613 = arith.constant 0 : i32
      %dma_start3A_614 = arith.constant 0 : i32
      %dma_start3A_615 = tpu.memref_slice %arg6[%dma_start3A_612, %dma_start3A_613, %dma_start3A_614] : memref<8x8x1024xf32, #tpu.memory_space<vmem>> -> memref<1x8x1024xf32, #tpu.memory_space<vmem>>
      %dma_start3A_616 = tpu.memref_squeeze %dma_start3A_615 : memref<1x8x1024xf32, #tpu.memory_space<vmem>> -> memref<8x1024xf32, #tpu.memory_space<vmem>>
      %dma_start3A_617 = arith.constant 0 : i32
      %dma_start3A_618 = tpu.memref_slice %arg4[%add3A_611, %dma_start3A_617] : memref<16384x1024xf32, #tpu.memory_space<hbm>> -> memref<8x1024xf32, #tpu.memory_space<hbm>>
      %dma_start3A_619 = arith.constant 0 : i32
      %dma_start3A_620 = tpu.memref_slice %arg4[%add3A_611, %dma_start3A_619] : memref<16384x1024xf32, #tpu.memory_space<hbm>> -> memref<8x1024xf32, #tpu.memory_space<hbm>>
      %dma_start3A_621 = arith.constant 0 : i32
      %dma_start3A_622 = arith.constant 0 : i32
      %dma_start3A_623 = tpu.memref_slice %arg6[%dma_start3A_612, %dma_start3A_621, %dma_start3A_622] : memref<8x8x1024xf32, #tpu.memory_space<vmem>> -> memref<1x8x1024xf32, #tpu.memory_space<vmem>>
      %dma_start3A_624 = tpu.memref_squeeze %dma_start3A_623 : memref<1x8x1024xf32, #tpu.memory_space<vmem>> -> memref<8x1024xf32, #tpu.memory_space<vmem>>
      tpu.enqueue_dma source(%dma_start3A_624 : memref<8x1024xf32, #tpu.memory_space<vmem>>) target(%dma_start3A_620 : memref<8x1024xf32, #tpu.memory_space<hbm>>) target_semaphore(%arg15 : memref<!tpu.dma_semaphore, #tpu.memory_space<semaphore_mem>>)
      %dma_wait3A_625 = arith.constant 0 : i32
      %dma_wait3A_626 = arith.constant 0 : i32
      %dma_wait3A_627 = arith.constant 0 : i32
      %dma_wait3A_628 = tpu.memref_slice %arg6[%dma_wait3A_625, %dma_wait3A_626, %dma_wait3A_627] : memref<8x8x1024xf32, #tpu.memory_space<vmem>> -> memref<1x8x1024xf32, #tpu.memory_space<vmem>>
      %dma_wait3A_629 = tpu.memref_squeeze %dma_wait3A_628 : memref<1x8x1024xf32, #tpu.memory_space<vmem>> -> memref<8x1024xf32, #tpu.memory_space<vmem>>
      %dma_wait3A_630 = arith.constant 0 : i32
      %dma_wait3A_631 = arith.constant 0 : i32
      %dma_wait3A_632 = tpu.memref_slice %arg2[%dma_wait3A_630, %dma_wait3A_631] : memref<32768x1024xf32, #tpu.memory_space<hbm>> -> memref<8x1024xf32, #tpu.memory_space<hbm>>
      %dma_wait3A_633 = arith.constant 0 : i32
      %dma_wait3A_634 = arith.constant 0 : i32
      %dma_wait3A_635 = tpu.memref_slice %arg6[%dma_wait3A_625, %dma_wait3A_633, %dma_wait3A_634] : memref<8x8x1024xf32, #tpu.memory_space<vmem>> -> memref<1x8x1024xf32, #tpu.memory_space<vmem>>
      %dma_wait3A_636 = tpu.memref_squeeze %dma_wait3A_635 : memref<1x8x1024xf32, #tpu.memory_space<vmem>> -> memref<8x1024xf32, #tpu.memory_space<vmem>>
      %dma_wait3A_637 = arith.constant 0 : i32
      %dma_wait3A_638 = arith.constant 0 : i32
      %dma_wait3A_639 = tpu.memref_slice %arg2[%dma_wait3A_637, %dma_wait3A_638] : memref<32768x1024xf32, #tpu.memory_space<hbm>> -> memref<8x1024xf32, #tpu.memory_space<hbm>>
      tpu.wait_dma2 semaphore(%arg15 : memref<!tpu.dma_semaphore, #tpu.memory_space<semaphore_mem>>) src(%dma_wait3A_639 : memref<8x1024xf32, #tpu.memory_space<hbm>>) dst(%dma_wait3A_636 : memref<8x1024xf32, #tpu.memory_space<vmem>>)
      %add3A_640 = arith.constant 8 : i32
      %add3A_641 = arith.addi %add3A_593, %add3A_640 : i32
      %mul3A_642 = arith.constant 8 : i32
      %mul3A_643 = arith.muli %add3A_641, %mul3A_642 : i32
      %dma_start3A_644 = arith.constant 0 : i32
      %dma_start3A_645 = arith.constant 0 : i32
      %dma_start3A_646 = arith.constant 0 : i32
      %dma_start3A_647 = tpu.memref_slice %arg6[%dma_start3A_644, %dma_start3A_645, %dma_start3A_646] : memref<8x8x1024xf32, #tpu.memory_space<vmem>> -> memref<1x8x1024xf32, #tpu.memory_space<vmem>>
      %dma_start3A_648 = tpu.memref_squeeze %dma_start3A_647 : memref<1x8x1024xf32, #tpu.memory_space<vmem>> -> memref<8x1024xf32, #tpu.memory_space<vmem>>
      %dma_start3A_649 = tpu.memref_slice %arg5[%mul3A_643] : memref<512xi32, #tpu.memory_space<vmem>> -> memref<8xi32, #tpu.memory_space<vmem>>
      %dma_start3A_650 = arith.constant 0 : i32
      %dma_start3A_651 = arith.constant 0 : i32
      %dma_start3A_652 = tpu.memref_slice %arg2[%dma_start3A_650, %dma_start3A_651] : memref<32768x1024xf32, #tpu.memory_space<hbm>> -> memref<32768x1024xf32, #tpu.memory_space<hbm>>
      tpu.enqueue_indirect_dma source(%dma_start3A_652 : memref<32768x1024xf32, #tpu.memory_space<hbm>>) target(%dma_start3A_648 : memref<8x1024xf32, #tpu.memory_space<vmem>>) offsets(%dma_start3A_649 : memref<8xi32, #tpu.memory_space<vmem>>) semaphore(%arg7 : memref<!tpu.dma_semaphore, #tpu.memory_space<semaphore_mem>>)
      %mul3A_653 = arith.constant 8 : i32
      %mul3A_654 = arith.muli %add3A_525, %mul3A_653 : i32
      %add3A_655 = arith.constant 1 : i32
      %add3A_656 = arith.addi %mul3A_654, %add3A_655 : i32
      %dma_wait3A_657 = arith.constant 1 : i32
      %dma_wait3A_658 = arith.constant 0 : i32
      %dma_wait3A_659 = arith.constant 0 : i32
      %dma_wait3A_660 = tpu.memref_slice %arg6[%dma_wait3A_657, %dma_wait3A_658, %dma_wait3A_659] : memref<8x8x1024xf32, #tpu.memory_space<vmem>> -> memref<1x8x1024xf32, #tpu.memory_space<vmem>>
      %dma_wait3A_661 = tpu.memref_squeeze %dma_wait3A_660 : memref<1x8x1024xf32, #tpu.memory_space<vmem>> -> memref<8x1024xf32, #tpu.memory_space<vmem>>
      %dma_wait3A_662 = arith.constant 0 : i32
      %dma_wait3A_663 = arith.constant 0 : i32
      %dma_wait3A_664 = tpu.memref_slice %arg2[%dma_wait3A_662, %dma_wait3A_663] : memref<32768x1024xf32, #tpu.memory_space<hbm>> -> memref<8x1024xf32, #tpu.memory_space<hbm>>
      %dma_wait3A_665 = arith.constant 0 : i32
      %dma_wait3A_666 = arith.constant 0 : i32
      %dma_wait3A_667 = tpu.memref_slice %arg6[%dma_wait3A_657, %dma_wait3A_665, %dma_wait3A_666] : memref<8x8x1024xf32, #tpu.memory_space<vmem>> -> memref<1x8x1024xf32, #tpu.memory_space<vmem>>
      %dma_wait3A_668 = tpu.memref_squeeze %dma_wait3A_667 : memref<1x8x1024xf32, #tpu.memory_space<vmem>> -> memref<8x1024xf32, #tpu.memory_space<vmem>>
      %dma_wait3A_669 = arith.constant 0 : i32
      %dma_wait3A_670 = arith.constant 0 : i32
      %dma_wait3A_671 = tpu.memref_slice %arg2[%dma_wait3A_669, %dma_wait3A_670] : memref<32768x1024xf32, #tpu.memory_space<hbm>> -> memref<8x1024xf32, #tpu.memory_space<hbm>>
      tpu.wait_dma2 semaphore(%arg8 : memref<!tpu.dma_semaphore, #tpu.memory_space<semaphore_mem>>) src(%dma_wait3A_671 : memref<8x1024xf32, #tpu.memory_space<hbm>>) dst(%dma_wait3A_668 : memref<8x1024xf32, #tpu.memory_space<vmem>>)
      %mul3A_672 = arith.constant 8 : i32
      %mul3A_673 = arith.muli %add3A_656, %mul3A_672 : i32
      %add3A_674 = arith.addi %mul3A_2, %mul3A_673 : i32
      %dma_start3A_675 = arith.constant 1 : i32
      %dma_start3A_676 = arith.constant 0 : i32
      %dma_start3A_677 = arith.constant 0 : i32
      %dma_start3A_678 = tpu.memref_slice %arg6[%dma_start3A_675, %dma_start3A_676, %dma_start3A_677] : memref<8x8x1024xf32, #tpu.memory_space<vmem>> -> memref<1x8x1024xf32, #tpu.memory_space<vmem>>
      %dma_start3A_679 = tpu.memref_squeeze %dma_start3A_678 : memref<1x8x1024xf32, #tpu.memory_space<vmem>> -> memref<8x1024xf32, #tpu.memory_space<vmem>>
      %dma_start3A_680 = arith.constant 0 : i32
      %dma_start3A_681 = tpu.memref_slice %arg4[%add3A_674, %dma_start3A_680] : memref<16384x1024xf32, #tpu.memory_space<hbm>> -> memref<8x1024xf32, #tpu.memory_space<hbm>>
      %dma_start3A_682 = arith.constant 0 : i32
      %dma_start3A_683 = tpu.memref_slice %arg4[%add3A_674, %dma_start3A_682] : memref<16384x1024xf32, #tpu.memory_space<hbm>> -> memref<8x1024xf32, #tpu.memory_space<hbm>>
      %dma_start3A_684 = arith.constant 0 : i32
      %dma_start3A_685 = arith.constant 0 : i32
      %dma_start3A_686 = tpu.memref_slice %arg6[%dma_start3A_675, %dma_start3A_684, %dma_start3A_685] : memref<8x8x1024xf32, #tpu.memory_space<vmem>> -> memref<1x8x1024xf32, #tpu.memory_space<vmem>>
      %dma_start3A_687 = tpu.memref_squeeze %dma_start3A_686 : memref<1x8x1024xf32, #tpu.memory_space<vmem>> -> memref<8x1024xf32, #tpu.memory_space<vmem>>
      tpu.enqueue_dma source(%dma_start3A_687 : memref<8x1024xf32, #tpu.memory_space<vmem>>) target(%dma_start3A_683 : memref<8x1024xf32, #tpu.memory_space<hbm>>) target_semaphore(%arg16 : memref<!tpu.dma_semaphore, #tpu.memory_space<semaphore_mem>>)
      %dma_wait3A_688 = arith.constant 1 : i32
      %dma_wait3A_689 = arith.constant 0 : i32
      %dma_wait3A_690 = arith.constant 0 : i32
      %dma_wait3A_691 = tpu.memref_slice %arg6[%dma_wait3A_688, %dma_wait3A_689, %dma_wait3A_690] : memref<8x8x1024xf32, #tpu.memory_space<vmem>> -> memref<1x8x1024xf32, #tpu.memory_space<vmem>>
      %dma_wait3A_692 = tpu.memref_squeeze %dma_wait3A_691 : memref<1x8x1024xf32, #tpu.memory_space<vmem>> -> memref<8x1024xf32, #tpu.memory_space<vmem>>
      %dma_wait3A_693 = arith.constant 0 : i32
      %dma_wait3A_694 = arith.constant 0 : i32
      %dma_wait3A_695 = tpu.memref_slice %arg2[%dma_wait3A_693, %dma_wait3A_694] : memref<32768x1024xf32, #tpu.memory_space<hbm>> -> memref<8x1024xf32, #tpu.memory_space<hbm>>
      %dma_wait3A_696 = arith.constant 0 : i32
      %dma_wait3A_697 = arith.constant 0 : i32
      %dma_wait3A_698 = tpu.memref_slice %arg6[%dma_wait3A_688, %dma_wait3A_696, %dma_wait3A_697] : memref<8x8x1024xf32, #tpu.memory_space<vmem>> -> memref<1x8x1024xf32, #tpu.memory_space<vmem>>
      %dma_wait3A_699 = tpu.memref_squeeze %dma_wait3A_698 : memref<1x8x1024xf32, #tpu.memory_space<vmem>> -> memref<8x1024xf32, #tpu.memory_space<vmem>>
      %dma_wait3A_700 = arith.constant 0 : i32
      %dma_wait3A_701 = arith.constant 0 : i32
      %dma_wait3A_702 = tpu.memref_slice %arg2[%dma_wait3A_700, %dma_wait3A_701] : memref<32768x1024xf32, #tpu.memory_space<hbm>> -> memref<8x1024xf32, #tpu.memory_space<hbm>>
      tpu.wait_dma2 semaphore(%arg16 : memref<!tpu.dma_semaphore, #tpu.memory_space<semaphore_mem>>) src(%dma_wait3A_702 : memref<8x1024xf32, #tpu.memory_space<hbm>>) dst(%dma_wait3A_699 : memref<8x1024xf32, #tpu.memory_space<vmem>>)
      %add3A_703 = arith.constant 8 : i32
      %add3A_704 = arith.addi %add3A_656, %add3A_703 : i32
      %mul3A_705 = arith.constant 8 : i32
      %mul3A_706 = arith.muli %add3A_704, %mul3A_705 : i32
      %dma_start3A_707 = arith.constant 1 : i32
      %dma_start3A_708 = arith.constant 0 : i32
      %dma_start3A_709 = arith.constant 0 : i32
      %dma_start3A_710 = tpu.memref_slice %arg6[%dma_start3A_707, %dma_start3A_708, %dma_start3A_709] : memref<8x8x1024xf32, #tpu.memory_space<vmem>> -> memref<1x8x1024xf32, #tpu.memory_space<vmem>>
      %dma_start3A_711 = tpu.memref_squeeze %dma_start3A_710 : memref<1x8x1024xf32, #tpu.memory_space<vmem>> -> memref<8x1024xf32, #tpu.memory_space<vmem>>
      %dma_start3A_712 = tpu.memref_slice %arg5[%mul3A_706] : memref<512xi32, #tpu.memory_space<vmem>> -> memref<8xi32, #tpu.memory_space<vmem>>
      %dma_start3A_713 = arith.constant 0 : i32
      %dma_start3A_714 = arith.constant 0 : i32
      %dma_start3A_715 = tpu.memref_slice %arg2[%dma_start3A_713, %dma_start3A_714] : memref<32768x1024xf32, #tpu.memory_space<hbm>> -> memref<32768x1024xf32, #tpu.memory_space<hbm>>
      tpu.enqueue_indirect_dma source(%dma_start3A_715 : memref<32768x1024xf32, #tpu.memory_space<hbm>>) target(%dma_start3A_711 : memref<8x1024xf32, #tpu.memory_space<vmem>>) offsets(%dma_start3A_712 : memref<8xi32, #tpu.memory_space<vmem>>) semaphore(%arg8 : memref<!tpu.dma_semaphore, #tpu.memory_space<semaphore_mem>>)
      %mul3A_716 = arith.constant 8 : i32
      %mul3A_717 = arith.muli %add3A_525, %mul3A_716 : i32
      %add3A_718 = arith.constant 2 : i32
      %add3A_719 = arith.addi %mul3A_717, %add3A_718 : i32
      %dma_wait3A_720 = arith.constant 2 : i32
      %dma_wait3A_721 = arith.constant 0 : i32
      %dma_wait3A_722 = arith.constant 0 : i32
      %dma_wait3A_723 = tpu.memref_slice %arg6[%dma_wait3A_720, %dma_wait3A_721, %dma_wait3A_722] : memref<8x8x1024xf32, #tpu.memory_space<vmem>> -> memref<1x8x1024xf32, #tpu.memory_space<vmem>>
      %dma_wait3A_724 = tpu.memref_squeeze %dma_wait3A_723 : memref<1x8x1024xf32, #tpu.memory_space<vmem>> -> memref<8x1024xf32, #tpu.memory_space<vmem>>
      %dma_wait3A_725 = arith.constant 0 : i32
      %dma_wait3A_726 = arith.constant 0 : i32
      %dma_wait3A_727 = tpu.memref_slice %arg2[%dma_wait3A_725, %dma_wait3A_726] : memref<32768x1024xf32, #tpu.memory_space<hbm>> -> memref<8x1024xf32, #tpu.memory_space<hbm>>
      %dma_wait3A_728 = arith.constant 0 : i32
      %dma_wait3A_729 = arith.constant 0 : i32
      %dma_wait3A_730 = tpu.memref_slice %arg6[%dma_wait3A_720, %dma_wait3A_728, %dma_wait3A_729] : memref<8x8x1024xf32, #tpu.memory_space<vmem>> -> memref<1x8x1024xf32, #tpu.memory_space<vmem>>
      %dma_wait3A_731 = tpu.memref_squeeze %dma_wait3A_730 : memref<1x8x1024xf32, #tpu.memory_space<vmem>> -> memref<8x1024xf32, #tpu.memory_space<vmem>>
      %dma_wait3A_732 = arith.constant 0 : i32
      %dma_wait3A_733 = arith.constant 0 : i32
      %dma_wait3A_734 = tpu.memref_slice %arg2[%dma_wait3A_732, %dma_wait3A_733] : memref<32768x1024xf32, #tpu.memory_space<hbm>> -> memref<8x1024xf32, #tpu.memory_space<hbm>>
      tpu.wait_dma2 semaphore(%arg9 : memref<!tpu.dma_semaphore, #tpu.memory_space<semaphore_mem>>) src(%dma_wait3A_734 : memref<8x1024xf32, #tpu.memory_space<hbm>>) dst(%dma_wait3A_731 : memref<8x1024xf32, #tpu.memory_space<vmem>>)
      %mul3A_735 = arith.constant 8 : i32
      %mul3A_736 = arith.muli %add3A_719, %mul3A_735 : i32
      %add3A_737 = arith.addi %mul3A_2, %mul3A_736 : i32
      %dma_start3A_738 = arith.constant 2 : i32
      %dma_start3A_739 = arith.constant 0 : i32
      %dma_start3A_740 = arith.constant 0 : i32
      %dma_start3A_741 = tpu.memref_slice %arg6[%dma_start3A_738, %dma_start3A_739, %dma_start3A_740] : memref<8x8x1024xf32, #tpu.memory_space<vmem>> -> memref<1x8x1024xf32, #tpu.memory_space<vmem>>
      %dma_start3A_742 = tpu.memref_squeeze %dma_start3A_741 : memref<1x8x1024xf32, #tpu.memory_space<vmem>> -> memref<8x1024xf32, #tpu.memory_space<vmem>>
      %dma_start3A_743 = arith.constant 0 : i32
      %dma_start3A_744 = tpu.memref_slice %arg4[%add3A_737, %dma_start3A_743] : memref<16384x1024xf32, #tpu.memory_space<hbm>> -> memref<8x1024xf32, #tpu.memory_space<hbm>>
      %dma_start3A_745 = arith.constant 0 : i32
      %dma_start3A_746 = tpu.memref_slice %arg4[%add3A_737, %dma_start3A_745] : memref<16384x1024xf32, #tpu.memory_space<hbm>> -> memref<8x1024xf32, #tpu.memory_space<hbm>>
      %dma_start3A_747 = arith.constant 0 : i32
      %dma_start3A_748 = arith.constant 0 : i32
      %dma_start3A_749 = tpu.memref_slice %arg6[%dma_start3A_738, %dma_start3A_747, %dma_start3A_748] : memref<8x8x1024xf32, #tpu.memory_space<vmem>> -> memref<1x8x1024xf32, #tpu.memory_space<vmem>>
      %dma_start3A_750 = tpu.memref_squeeze %dma_start3A_749 : memref<1x8x1024xf32, #tpu.memory_space<vmem>> -> memref<8x1024xf32, #tpu.memory_space<vmem>>
      tpu.enqueue_dma source(%dma_start3A_750 : memref<8x1024xf32, #tpu.memory_space<vmem>>) target(%dma_start3A_746 : memref<8x1024xf32, #tpu.memory_space<hbm>>) target_semaphore(%arg17 : memref<!tpu.dma_semaphore, #tpu.memory_space<semaphore_mem>>)
      %dma_wait3A_751 = arith.constant 2 : i32
      %dma_wait3A_752 = arith.constant 0 : i32
      %dma_wait3A_753 = arith.constant 0 : i32
      %dma_wait3A_754 = tpu.memref_slice %arg6[%dma_wait3A_751, %dma_wait3A_752, %dma_wait3A_753] : memref<8x8x1024xf32, #tpu.memory_space<vmem>> -> memref<1x8x1024xf32, #tpu.memory_space<vmem>>
      %dma_wait3A_755 = tpu.memref_squeeze %dma_wait3A_754 : memref<1x8x1024xf32, #tpu.memory_space<vmem>> -> memref<8x1024xf32, #tpu.memory_space<vmem>>
      %dma_wait3A_756 = arith.constant 0 : i32
      %dma_wait3A_757 = arith.constant 0 : i32
      %dma_wait3A_758 = tpu.memref_slice %arg2[%dma_wait3A_756, %dma_wait3A_757] : memref<32768x1024xf32, #tpu.memory_space<hbm>> -> memref<8x1024xf32, #tpu.memory_space<hbm>>
      %dma_wait3A_759 = arith.constant 0 : i32
      %dma_wait3A_760 = arith.constant 0 : i32
      %dma_wait3A_761 = tpu.memref_slice %arg6[%dma_wait3A_751, %dma_wait3A_759, %dma_wait3A_760] : memref<8x8x1024xf32, #tpu.memory_space<vmem>> -> memref<1x8x1024xf32, #tpu.memory_space<vmem>>
      %dma_wait3A_762 = tpu.memref_squeeze %dma_wait3A_761 : memref<1x8x1024xf32, #tpu.memory_space<vmem>> -> memref<8x1024xf32, #tpu.memory_space<vmem>>
      %dma_wait3A_763 = arith.constant 0 : i32
      %dma_wait3A_764 = arith.constant 0 : i32
      %dma_wait3A_765 = tpu.memref_slice %arg2[%dma_wait3A_763, %dma_wait3A_764] : memref<32768x1024xf32, #tpu.memory_space<hbm>> -> memref<8x1024xf32, #tpu.memory_space<hbm>>
      tpu.wait_dma2 semaphore(%arg17 : memref<!tpu.dma_semaphore, #tpu.memory_space<semaphore_mem>>) src(%dma_wait3A_765 : memref<8x1024xf32, #tpu.memory_space<hbm>>) dst(%dma_wait3A_762 : memref<8x1024xf32, #tpu.memory_space<vmem>>)
      %add3A_766 = arith.constant 8 : i32
      %add3A_767 = arith.addi %add3A_719, %add3A_766 : i32
      %mul3A_768 = arith.constant 8 : i32
      %mul3A_769 = arith.muli %add3A_767, %mul3A_768 : i32
      %dma_start3A_770 = arith.constant 2 : i32
      %dma_start3A_771 = arith.constant 0 : i32
      %dma_start3A_772 = arith.constant 0 : i32
      %dma_start3A_773 = tpu.memref_slice %arg6[%dma_start3A_770, %dma_start3A_771, %dma_start3A_772] : memref<8x8x1024xf32, #tpu.memory_space<vmem>> -> memref<1x8x1024xf32, #tpu.memory_space<vmem>>
      %dma_start3A_774 = tpu.memref_squeeze %dma_start3A_773 : memref<1x8x1024xf32, #tpu.memory_space<vmem>> -> memref<8x1024xf32, #tpu.memory_space<vmem>>
      %dma_start3A_775 = tpu.memref_slice %arg5[%mul3A_769] : memref<512xi32, #tpu.memory_space<vmem>> -> memref<8xi32, #tpu.memory_space<vmem>>
      %dma_start3A_776 = arith.constant 0 : i32
      %dma_start3A_777 = arith.constant 0 : i32
      %dma_start3A_778 = tpu.memref_slice %arg2[%dma_start3A_776, %dma_start3A_777] : memref<32768x1024xf32, #tpu.memory_space<hbm>> -> memref<32768x1024xf32, #tpu.memory_space<hbm>>
      tpu.enqueue_indirect_dma source(%dma_start3A_778 : memref<32768x1024xf32, #tpu.memory_space<hbm>>) target(%dma_start3A_774 : memref<8x1024xf32, #tpu.memory_space<vmem>>) offsets(%dma_start3A_775 : memref<8xi32, #tpu.memory_space<vmem>>) semaphore(%arg9 : memref<!tpu.dma_semaphore, #tpu.memory_space<semaphore_mem>>)
      %mul3A_779 = arith.constant 8 : i32
      %mul3A_780 = arith.muli %add3A_525, %mul3A_779 : i32
      %add3A_781 = arith.constant 3 : i32
      %add3A_782 = arith.addi %mul3A_780, %add3A_781 : i32
      %dma_wait3A_783 = arith.constant 3 : i32
      %dma_wait3A_784 = arith.constant 0 : i32
      %dma_wait3A_785 = arith.constant 0 : i32
      %dma_wait3A_786 = tpu.memref_slice %arg6[%dma_wait3A_783, %dma_wait3A_784, %dma_wait3A_785] : memref<8x8x1024xf32, #tpu.memory_space<vmem>> -> memref<1x8x1024xf32, #tpu.memory_space<vmem>>
      %dma_wait3A_787 = tpu.memref_squeeze %dma_wait3A_786 : memref<1x8x1024xf32, #tpu.memory_space<vmem>> -> memref<8x1024xf32, #tpu.memory_space<vmem>>
      %dma_wait3A_788 = arith.constant 0 : i32
      %dma_wait3A_789 = arith.constant 0 : i32
      %dma_wait3A_790 = tpu.memref_slice %arg2[%dma_wait3A_788, %dma_wait3A_789] : memref<32768x1024xf32, #tpu.memory_space<hbm>> -> memref<8x1024xf32, #tpu.memory_space<hbm>>
      %dma_wait3A_791 = arith.constant 0 : i32
      %dma_wait3A_792 = arith.constant 0 : i32
      %dma_wait3A_793 = tpu.memref_slice %arg6[%dma_wait3A_783, %dma_wait3A_791, %dma_wait3A_792] : memref<8x8x1024xf32, #tpu.memory_space<vmem>> -> memref<1x8x1024xf32, #tpu.memory_space<vmem>>
      %dma_wait3A_794 = tpu.memref_squeeze %dma_wait3A_793 : memref<1x8x1024xf32, #tpu.memory_space<vmem>> -> memref<8x1024xf32, #tpu.memory_space<vmem>>
      %dma_wait3A_795 = arith.constant 0 : i32
      %dma_wait3A_796 = arith.constant 0 : i32
      %dma_wait3A_797 = tpu.memref_slice %arg2[%dma_wait3A_795, %dma_wait3A_796] : memref<32768x1024xf32, #tpu.memory_space<hbm>> -> memref<8x1024xf32, #tpu.memory_space<hbm>>
      tpu.wait_dma2 semaphore(%arg10 : memref<!tpu.dma_semaphore, #tpu.memory_space<semaphore_mem>>) src(%dma_wait3A_797 : memref<8x1024xf32, #tpu.memory_space<hbm>>) dst(%dma_wait3A_794 : memref<8x1024xf32, #tpu.memory_space<vmem>>)
      %mul3A_798 = arith.constant 8 : i32
      %mul3A_799 = arith.muli %add3A_782, %mul3A_798 : i32
      %add3A_800 = arith.addi %mul3A_2, %mul3A_799 : i32
      %dma_start3A_801 = arith.constant 3 : i32
      %dma_start3A_802 = arith.constant 0 : i32
      %dma_start3A_803 = arith.constant 0 : i32
      %dma_start3A_804 = tpu.memref_slice %arg6[%dma_start3A_801, %dma_start3A_802, %dma_start3A_803] : memref<8x8x1024xf32, #tpu.memory_space<vmem>> -> memref<1x8x1024xf32, #tpu.memory_space<vmem>>
      %dma_start3A_805 = tpu.memref_squeeze %dma_start3A_804 : memref<1x8x1024xf32, #tpu.memory_space<vmem>> -> memref<8x1024xf32, #tpu.memory_space<vmem>>
      %dma_start3A_806 = arith.constant 0 : i32
      %dma_start3A_807 = tpu.memref_slice %arg4[%add3A_800, %dma_start3A_806] : memref<16384x1024xf32, #tpu.memory_space<hbm>> -> memref<8x1024xf32, #tpu.memory_space<hbm>>
      %dma_start3A_808 = arith.constant 0 : i32
      %dma_start3A_809 = tpu.memref_slice %arg4[%add3A_800, %dma_start3A_808] : memref<16384x1024xf32, #tpu.memory_space<hbm>> -> memref<8x1024xf32, #tpu.memory_space<hbm>>
      %dma_start3A_810 = arith.constant 0 : i32
      %dma_start3A_811 = arith.constant 0 : i32
      %dma_start3A_812 = tpu.memref_slice %arg6[%dma_start3A_801, %dma_start3A_810, %dma_start3A_811] : memref<8x8x1024xf32, #tpu.memory_space<vmem>> -> memref<1x8x1024xf32, #tpu.memory_space<vmem>>
      %dma_start3A_813 = tpu.memref_squeeze %dma_start3A_812 : memref<1x8x1024xf32, #tpu.memory_space<vmem>> -> memref<8x1024xf32, #tpu.memory_space<vmem>>
      tpu.enqueue_dma source(%dma_start3A_813 : memref<8x1024xf32, #tpu.memory_space<vmem>>) target(%dma_start3A_809 : memref<8x1024xf32, #tpu.memory_space<hbm>>) target_semaphore(%arg18 : memref<!tpu.dma_semaphore, #tpu.memory_space<semaphore_mem>>)
      %dma_wait3A_814 = arith.constant 3 : i32
      %dma_wait3A_815 = arith.constant 0 : i32
      %dma_wait3A_816 = arith.constant 0 : i32
      %dma_wait3A_817 = tpu.memref_slice %arg6[%dma_wait3A_814, %dma_wait3A_815, %dma_wait3A_816] : memref<8x8x1024xf32, #tpu.memory_space<vmem>> -> memref<1x8x1024xf32, #tpu.memory_space<vmem>>
      %dma_wait3A_818 = tpu.memref_squeeze %dma_wait3A_817 : memref<1x8x1024xf32, #tpu.memory_space<vmem>> -> memref<8x1024xf32, #tpu.memory_space<vmem>>
      %dma_wait3A_819 = arith.constant 0 : i32
      %dma_wait3A_820 = arith.constant 0 : i32
      %dma_wait3A_821 = tpu.memref_slice %arg2[%dma_wait3A_819, %dma_wait3A_820] : memref<32768x1024xf32, #tpu.memory_space<hbm>> -> memref<8x1024xf32, #tpu.memory_space<hbm>>
      %dma_wait3A_822 = arith.constant 0 : i32
      %dma_wait3A_823 = arith.constant 0 : i32
      %dma_wait3A_824 = tpu.memref_slice %arg6[%dma_wait3A_814, %dma_wait3A_822, %dma_wait3A_823] : memref<8x8x1024xf32, #tpu.memory_space<vmem>> -> memref<1x8x1024xf32, #tpu.memory_space<vmem>>
      %dma_wait3A_825 = tpu.memref_squeeze %dma_wait3A_824 : memref<1x8x1024xf32, #tpu.memory_space<vmem>> -> memref<8x1024xf32, #tpu.memory_space<vmem>>
      %dma_wait3A_826 = arith.constant 0 : i32
      %dma_wait3A_827 = arith.constant 0 : i32
      %dma_wait3A_828 = tpu.memref_slice %arg2[%dma_wait3A_826, %dma_wait3A_827] : memref<32768x1024xf32, #tpu.memory_space<hbm>> -> memref<8x1024xf32, #tpu.memory_space<hbm>>
      tpu.wait_dma2 semaphore(%arg18 : memref<!tpu.dma_semaphore, #tpu.memory_space<semaphore_mem>>) src(%dma_wait3A_828 : memref<8x1024xf32, #tpu.memory_space<hbm>>) dst(%dma_wait3A_825 : memref<8x1024xf32, #tpu.memory_space<vmem>>)
      %add3A_829 = arith.constant 8 : i32
      %add3A_830 = arith.addi %add3A_782, %add3A_829 : i32
      %mul3A_831 = arith.constant 8 : i32
      %mul3A_832 = arith.muli %add3A_830, %mul3A_831 : i32
      %dma_start3A_833 = arith.constant 3 : i32
      %dma_start3A_834 = arith.constant 0 : i32
      %dma_start3A_835 = arith.constant 0 : i32
      %dma_start3A_836 = tpu.memref_slice %arg6[%dma_start3A_833, %dma_start3A_834, %dma_start3A_835] : memref<8x8x1024xf32, #tpu.memory_space<vmem>> -> memref<1x8x1024xf32, #tpu.memory_space<vmem>>
      %dma_start3A_837 = tpu.memref_squeeze %dma_start3A_836 : memref<1x8x1024xf32, #tpu.memory_space<vmem>> -> memref<8x1024xf32, #tpu.memory_space<vmem>>
      %dma_start3A_838 = tpu.memref_slice %arg5[%mul3A_832] : memref<512xi32, #tpu.memory_space<vmem>> -> memref<8xi32, #tpu.memory_space<vmem>>
      %dma_start3A_839 = arith.constant 0 : i32
      %dma_start3A_840 = arith.constant 0 : i32
      %dma_start3A_841 = tpu.memref_slice %arg2[%dma_start3A_839, %dma_start3A_840] : memref<32768x1024xf32, #tpu.memory_space<hbm>> -> memref<32768x1024xf32, #tpu.memory_space<hbm>>
      tpu.enqueue_indirect_dma source(%dma_start3A_841 : memref<32768x1024xf32, #tpu.memory_space<hbm>>) target(%dma_start3A_837 : memref<8x1024xf32, #tpu.memory_space<vmem>>) offsets(%dma_start3A_838 : memref<8xi32, #tpu.memory_space<vmem>>) semaphore(%arg10 : memref<!tpu.dma_semaphore, #tpu.memory_space<semaphore_mem>>)
      %mul3A_842 = arith.constant 8 : i32
      %mul3A_843 = arith.muli %add3A_525, %mul3A_842 : i32
      %add3A_844 = arith.constant 4 : i32
      %add3A_845 = arith.addi %mul3A_843, %add3A_844 : i32
      %dma_wait3A_846 = arith.constant 4 : i32
      %dma_wait3A_847 = arith.constant 0 : i32
      %dma_wait3A_848 = arith.constant 0 : i32
      %dma_wait3A_849 = tpu.memref_slice %arg6[%dma_wait3A_846, %dma_wait3A_847, %dma_wait3A_848] : memref<8x8x1024xf32, #tpu.memory_space<vmem>> -> memref<1x8x1024xf32, #tpu.memory_space<vmem>>
      %dma_wait3A_850 = tpu.memref_squeeze %dma_wait3A_849 : memref<1x8x1024xf32, #tpu.memory_space<vmem>> -> memref<8x1024xf32, #tpu.memory_space<vmem>>
      %dma_wait3A_851 = arith.constant 0 : i32
      %dma_wait3A_852 = arith.constant 0 : i32
      %dma_wait3A_853 = tpu.memref_slice %arg2[%dma_wait3A_851, %dma_wait3A_852] : memref<32768x1024xf32, #tpu.memory_space<hbm>> -> memref<8x1024xf32, #tpu.memory_space<hbm>>
      %dma_wait3A_854 = arith.constant 0 : i32
      %dma_wait3A_855 = arith.constant 0 : i32
      %dma_wait3A_856 = tpu.memref_slice %arg6[%dma_wait3A_846, %dma_wait3A_854, %dma_wait3A_855] : memref<8x8x1024xf32, #tpu.memory_space<vmem>> -> memref<1x8x1024xf32, #tpu.memory_space<vmem>>
      %dma_wait3A_857 = tpu.memref_squeeze %dma_wait3A_856 : memref<1x8x1024xf32, #tpu.memory_space<vmem>> -> memref<8x1024xf32, #tpu.memory_space<vmem>>
      %dma_wait3A_858 = arith.constant 0 : i32
      %dma_wait3A_859 = arith.constant 0 : i32
      %dma_wait3A_860 = tpu.memref_slice %arg2[%dma_wait3A_858, %dma_wait3A_859] : memref<32768x1024xf32, #tpu.memory_space<hbm>> -> memref<8x1024xf32, #tpu.memory_space<hbm>>
      tpu.wait_dma2 semaphore(%arg11 : memref<!tpu.dma_semaphore, #tpu.memory_space<semaphore_mem>>) src(%dma_wait3A_860 : memref<8x1024xf32, #tpu.memory_space<hbm>>) dst(%dma_wait3A_857 : memref<8x1024xf32, #tpu.memory_space<vmem>>)
      %mul3A_861 = arith.constant 8 : i32
      %mul3A_862 = arith.muli %add3A_845, %mul3A_861 : i32
      %add3A_863 = arith.addi %mul3A_2, %mul3A_862 : i32
      %dma_start3A_864 = arith.constant 4 : i32
      %dma_start3A_865 = arith.constant 0 : i32
      %dma_start3A_866 = arith.constant 0 : i32
      %dma_start3A_867 = tpu.memref_slice %arg6[%dma_start3A_864, %dma_start3A_865, %dma_start3A_866] : memref<8x8x1024xf32, #tpu.memory_space<vmem>> -> memref<1x8x1024xf32, #tpu.memory_space<vmem>>
      %dma_start3A_868 = tpu.memref_squeeze %dma_start3A_867 : memref<1x8x1024xf32, #tpu.memory_space<vmem>> -> memref<8x1024xf32, #tpu.memory_space<vmem>>
      %dma_start3A_869 = arith.constant 0 : i32
      %dma_start3A_870 = tpu.memref_slice %arg4[%add3A_863, %dma_start3A_869] : memref<16384x1024xf32, #tpu.memory_space<hbm>> -> memref<8x1024xf32, #tpu.memory_space<hbm>>
      %dma_start3A_871 = arith.constant 0 : i32
      %dma_start3A_872 = tpu.memref_slice %arg4[%add3A_863, %dma_start3A_871] : memref<16384x1024xf32, #tpu.memory_space<hbm>> -> memref<8x1024xf32, #tpu.memory_space<hbm>>
      %dma_start3A_873 = arith.constant 0 : i32
      %dma_start3A_874 = arith.constant 0 : i32
      %dma_start3A_875 = tpu.memref_slice %arg6[%dma_start3A_864, %dma_start3A_873, %dma_start3A_874] : memref<8x8x1024xf32, #tpu.memory_space<vmem>> -> memref<1x8x1024xf32, #tpu.memory_space<vmem>>
      %dma_start3A_876 = tpu.memref_squeeze %dma_start3A_875 : memref<1x8x1024xf32, #tpu.memory_space<vmem>> -> memref<8x1024xf32, #tpu.memory_space<vmem>>
      tpu.enqueue_dma source(%dma_start3A_876 : memref<8x1024xf32, #tpu.memory_space<vmem>>) target(%dma_start3A_872 : memref<8x1024xf32, #tpu.memory_space<hbm>>) target_semaphore(%arg19 : memref<!tpu.dma_semaphore, #tpu.memory_space<semaphore_mem>>)
      %dma_wait3A_877 = arith.constant 4 : i32
      %dma_wait3A_878 = arith.constant 0 : i32
      %dma_wait3A_879 = arith.constant 0 : i32
      %dma_wait3A_880 = tpu.memref_slice %arg6[%dma_wait3A_877, %dma_wait3A_878, %dma_wait3A_879] : memref<8x8x1024xf32, #tpu.memory_space<vmem>> -> memref<1x8x1024xf32, #tpu.memory_space<vmem>>
      %dma_wait3A_881 = tpu.memref_squeeze %dma_wait3A_880 : memref<1x8x1024xf32, #tpu.memory_space<vmem>> -> memref<8x1024xf32, #tpu.memory_space<vmem>>
      %dma_wait3A_882 = arith.constant 0 : i32
      %dma_wait3A_883 = arith.constant 0 : i32
      %dma_wait3A_884 = tpu.memref_slice %arg2[%dma_wait3A_882, %dma_wait3A_883] : memref<32768x1024xf32, #tpu.memory_space<hbm>> -> memref<8x1024xf32, #tpu.memory_space<hbm>>
      %dma_wait3A_885 = arith.constant 0 : i32
      %dma_wait3A_886 = arith.constant 0 : i32
      %dma_wait3A_887 = tpu.memref_slice %arg6[%dma_wait3A_877, %dma_wait3A_885, %dma_wait3A_886] : memref<8x8x1024xf32, #tpu.memory_space<vmem>> -> memref<1x8x1024xf32, #tpu.memory_space<vmem>>
      %dma_wait3A_888 = tpu.memref_squeeze %dma_wait3A_887 : memref<1x8x1024xf32, #tpu.memory_space<vmem>> -> memref<8x1024xf32, #tpu.memory_space<vmem>>
      %dma_wait3A_889 = arith.constant 0 : i32
      %dma_wait3A_890 = arith.constant 0 : i32
      %dma_wait3A_891 = tpu.memref_slice %arg2[%dma_wait3A_889, %dma_wait3A_890] : memref<32768x1024xf32, #tpu.memory_space<hbm>> -> memref<8x1024xf32, #tpu.memory_space<hbm>>
      tpu.wait_dma2 semaphore(%arg19 : memref<!tpu.dma_semaphore, #tpu.memory_space<semaphore_mem>>) src(%dma_wait3A_891 : memref<8x1024xf32, #tpu.memory_space<hbm>>) dst(%dma_wait3A_888 : memref<8x1024xf32, #tpu.memory_space<vmem>>)
      %add3A_892 = arith.constant 8 : i32
      %add3A_893 = arith.addi %add3A_845, %add3A_892 : i32
      %mul3A_894 = arith.constant 8 : i32
      %mul3A_895 = arith.muli %add3A_893, %mul3A_894 : i32
      %dma_start3A_896 = arith.constant 4 : i32
      %dma_start3A_897 = arith.constant 0 : i32
      %dma_start3A_898 = arith.constant 0 : i32
      %dma_start3A_899 = tpu.memref_slice %arg6[%dma_start3A_896, %dma_start3A_897, %dma_start3A_898] : memref<8x8x1024xf32, #tpu.memory_space<vmem>> -> memref<1x8x1024xf32, #tpu.memory_space<vmem>>
      %dma_start3A_900 = tpu.memref_squeeze %dma_start3A_899 : memref<1x8x1024xf32, #tpu.memory_space<vmem>> -> memref<8x1024xf32, #tpu.memory_space<vmem>>
      %dma_start3A_901 = tpu.memref_slice %arg5[%mul3A_895] : memref<512xi32, #tpu.memory_space<vmem>> -> memref<8xi32, #tpu.memory_space<vmem>>
      %dma_start3A_902 = arith.constant 0 : i32
      %dma_start3A_903 = arith.constant 0 : i32
      %dma_start3A_904 = tpu.memref_slice %arg2[%dma_start3A_902, %dma_start3A_903] : memref<32768x1024xf32, #tpu.memory_space<hbm>> -> memref<32768x1024xf32, #tpu.memory_space<hbm>>
      tpu.enqueue_indirect_dma source(%dma_start3A_904 : memref<32768x1024xf32, #tpu.memory_space<hbm>>) target(%dma_start3A_900 : memref<8x1024xf32, #tpu.memory_space<vmem>>) offsets(%dma_start3A_901 : memref<8xi32, #tpu.memory_space<vmem>>) semaphore(%arg11 : memref<!tpu.dma_semaphore, #tpu.memory_space<semaphore_mem>>)
      %mul3A_905 = arith.constant 8 : i32
      %mul3A_906 = arith.muli %add3A_525, %mul3A_905 : i32
      %add3A_907 = arith.constant 5 : i32
      %add3A_908 = arith.addi %mul3A_906, %add3A_907 : i32
      %dma_wait3A_909 = arith.constant 5 : i32
      %dma_wait3A_910 = arith.constant 0 : i32
      %dma_wait3A_911 = arith.constant 0 : i32
      %dma_wait3A_912 = tpu.memref_slice %arg6[%dma_wait3A_909, %dma_wait3A_910, %dma_wait3A_911] : memref<8x8x1024xf32, #tpu.memory_space<vmem>> -> memref<1x8x1024xf32, #tpu.memory_space<vmem>>
      %dma_wait3A_913 = tpu.memref_squeeze %dma_wait3A_912 : memref<1x8x1024xf32, #tpu.memory_space<vmem>> -> memref<8x1024xf32, #tpu.memory_space<vmem>>
      %dma_wait3A_914 = arith.constant 0 : i32
      %dma_wait3A_915 = arith.constant 0 : i32
      %dma_wait3A_916 = tpu.memref_slice %arg2[%dma_wait3A_914, %dma_wait3A_915] : memref<32768x1024xf32, #tpu.memory_space<hbm>> -> memref<8x1024xf32, #tpu.memory_space<hbm>>
      %dma_wait3A_917 = arith.constant 0 : i32
      %dma_wait3A_918 = arith.constant 0 : i32
      %dma_wait3A_919 = tpu.memref_slice %arg6[%dma_wait3A_909, %dma_wait3A_917, %dma_wait3A_918] : memref<8x8x1024xf32, #tpu.memory_space<vmem>> -> memref<1x8x1024xf32, #tpu.memory_space<vmem>>
      %dma_wait3A_920 = tpu.memref_squeeze %dma_wait3A_919 : memref<1x8x1024xf32, #tpu.memory_space<vmem>> -> memref<8x1024xf32, #tpu.memory_space<vmem>>
      %dma_wait3A_921 = arith.constant 0 : i32
      %dma_wait3A_922 = arith.constant 0 : i32
      %dma_wait3A_923 = tpu.memref_slice %arg2[%dma_wait3A_921, %dma_wait3A_922] : memref<32768x1024xf32, #tpu.memory_space<hbm>> -> memref<8x1024xf32, #tpu.memory_space<hbm>>
      tpu.wait_dma2 semaphore(%arg12 : memref<!tpu.dma_semaphore, #tpu.memory_space<semaphore_mem>>) src(%dma_wait3A_923 : memref<8x1024xf32, #tpu.memory_space<hbm>>) dst(%dma_wait3A_920 : memref<8x1024xf32, #tpu.memory_space<vmem>>)
      %mul3A_924 = arith.constant 8 : i32
      %mul3A_925 = arith.muli %add3A_908, %mul3A_924 : i32
      %add3A_926 = arith.addi %mul3A_2, %mul3A_925 : i32
      %dma_start3A_927 = arith.constant 5 : i32
      %dma_start3A_928 = arith.constant 0 : i32
      %dma_start3A_929 = arith.constant 0 : i32
      %dma_start3A_930 = tpu.memref_slice %arg6[%dma_start3A_927, %dma_start3A_928, %dma_start3A_929] : memref<8x8x1024xf32, #tpu.memory_space<vmem>> -> memref<1x8x1024xf32, #tpu.memory_space<vmem>>
      %dma_start3A_931 = tpu.memref_squeeze %dma_start3A_930 : memref<1x8x1024xf32, #tpu.memory_space<vmem>> -> memref<8x1024xf32, #tpu.memory_space<vmem>>
      %dma_start3A_932 = arith.constant 0 : i32
      %dma_start3A_933 = tpu.memref_slice %arg4[%add3A_926, %dma_start3A_932] : memref<16384x1024xf32, #tpu.memory_space<hbm>> -> memref<8x1024xf32, #tpu.memory_space<hbm>>
      %dma_start3A_934 = arith.constant 0 : i32
      %dma_start3A_935 = tpu.memref_slice %arg4[%add3A_926, %dma_start3A_934] : memref<16384x1024xf32, #tpu.memory_space<hbm>> -> memref<8x1024xf32, #tpu.memory_space<hbm>>
      %dma_start3A_936 = arith.constant 0 : i32
      %dma_start3A_937 = arith.constant 0 : i32
      %dma_start3A_938 = tpu.memref_slice %arg6[%dma_start3A_927, %dma_start3A_936, %dma_start3A_937] : memref<8x8x1024xf32, #tpu.memory_space<vmem>> -> memref<1x8x1024xf32, #tpu.memory_space<vmem>>
      %dma_start3A_939 = tpu.memref_squeeze %dma_start3A_938 : memref<1x8x1024xf32, #tpu.memory_space<vmem>> -> memref<8x1024xf32, #tpu.memory_space<vmem>>
      tpu.enqueue_dma source(%dma_start3A_939 : memref<8x1024xf32, #tpu.memory_space<vmem>>) target(%dma_start3A_935 : memref<8x1024xf32, #tpu.memory_space<hbm>>) target_semaphore(%arg20 : memref<!tpu.dma_semaphore, #tpu.memory_space<semaphore_mem>>)
      %dma_wait3A_940 = arith.constant 5 : i32
      %dma_wait3A_941 = arith.constant 0 : i32
      %dma_wait3A_942 = arith.constant 0 : i32
      %dma_wait3A_943 = tpu.memref_slice %arg6[%dma_wait3A_940, %dma_wait3A_941, %dma_wait3A_942] : memref<8x8x1024xf32, #tpu.memory_space<vmem>> -> memref<1x8x1024xf32, #tpu.memory_space<vmem>>
      %dma_wait3A_944 = tpu.memref_squeeze %dma_wait3A_943 : memref<1x8x1024xf32, #tpu.memory_space<vmem>> -> memref<8x1024xf32, #tpu.memory_space<vmem>>
      %dma_wait3A_945 = arith.constant 0 : i32
      %dma_wait3A_946 = arith.constant 0 : i32
      %dma_wait3A_947 = tpu.memref_slice %arg2[%dma_wait3A_945, %dma_wait3A_946] : memref<32768x1024xf32, #tpu.memory_space<hbm>> -> memref<8x1024xf32, #tpu.memory_space<hbm>>
      %dma_wait3A_948 = arith.constant 0 : i32
      %dma_wait3A_949 = arith.constant 0 : i32
      %dma_wait3A_950 = tpu.memref_slice %arg6[%dma_wait3A_940, %dma_wait3A_948, %dma_wait3A_949] : memref<8x8x1024xf32, #tpu.memory_space<vmem>> -> memref<1x8x1024xf32, #tpu.memory_space<vmem>>
      %dma_wait3A_951 = tpu.memref_squeeze %dma_wait3A_950 : memref<1x8x1024xf32, #tpu.memory_space<vmem>> -> memref<8x1024xf32, #tpu.memory_space<vmem>>
      %dma_wait3A_952 = arith.constant 0 : i32
      %dma_wait3A_953 = arith.constant 0 : i32
      %dma_wait3A_954 = tpu.memref_slice %arg2[%dma_wait3A_952, %dma_wait3A_953] : memref<32768x1024xf32, #tpu.memory_space<hbm>> -> memref<8x1024xf32, #tpu.memory_space<hbm>>
      tpu.wait_dma2 semaphore(%arg20 : memref<!tpu.dma_semaphore, #tpu.memory_space<semaphore_mem>>) src(%dma_wait3A_954 : memref<8x1024xf32, #tpu.memory_space<hbm>>) dst(%dma_wait3A_951 : memref<8x1024xf32, #tpu.memory_space<vmem>>)
      %add3A_955 = arith.constant 8 : i32
      %add3A_956 = arith.addi %add3A_908, %add3A_955 : i32
      %mul3A_957 = arith.constant 8 : i32
      %mul3A_958 = arith.muli %add3A_956, %mul3A_957 : i32
      %dma_start3A_959 = arith.constant 5 : i32
      %dma_start3A_960 = arith.constant 0 : i32
      %dma_start3A_961 = arith.constant 0 : i32
      %dma_start3A_962 = tpu.memref_slice %arg6[%dma_start3A_959, %dma_start3A_960, %dma_start3A_961] : memref<8x8x1024xf32, #tpu.memory_space<vmem>> -> memref<1x8x1024xf32, #tpu.memory_space<vmem>>
      %dma_start3A_963 = tpu.memref_squeeze %dma_start3A_962 : memref<1x8x1024xf32, #tpu.memory_space<vmem>> -> memref<8x1024xf32, #tpu.memory_space<vmem>>
      %dma_start3A_964 = tpu.memref_slice %arg5[%mul3A_958] : memref<512xi32, #tpu.memory_space<vmem>> -> memref<8xi32, #tpu.memory_space<vmem>>
      %dma_start3A_965 = arith.constant 0 : i32
      %dma_start3A_966 = arith.constant 0 : i32
      %dma_start3A_967 = tpu.memref_slice %arg2[%dma_start3A_965, %dma_start3A_966] : memref<32768x1024xf32, #tpu.memory_space<hbm>> -> memref<32768x1024xf32, #tpu.memory_space<hbm>>
      tpu.enqueue_indirect_dma source(%dma_start3A_967 : memref<32768x1024xf32, #tpu.memory_space<hbm>>) target(%dma_start3A_963 : memref<8x1024xf32, #tpu.memory_space<vmem>>) offsets(%dma_start3A_964 : memref<8xi32, #tpu.memory_space<vmem>>) semaphore(%arg12 : memref<!tpu.dma_semaphore, #tpu.memory_space<semaphore_mem>>)
      %mul3A_968 = arith.constant 8 : i32
      %mul3A_969 = arith.muli %add3A_525, %mul3A_968 : i32
      %add3A_970 = arith.constant 6 : i32
      %add3A_971 = arith.addi %mul3A_969, %add3A_970 : i32
      %dma_wait3A_972 = arith.constant 6 : i32
      %dma_wait3A_973 = arith.constant 0 : i32
      %dma_wait3A_974 = arith.constant 0 : i32
      %dma_wait3A_975 = tpu.memref_slice %arg6[%dma_wait3A_972, %dma_wait3A_973, %dma_wait3A_974] : memref<8x8x1024xf32, #tpu.memory_space<vmem>> -> memref<1x8x1024xf32, #tpu.memory_space<vmem>>
      %dma_wait3A_976 = tpu.memref_squeeze %dma_wait3A_975 : memref<1x8x1024xf32, #tpu.memory_space<vmem>> -> memref<8x1024xf32, #tpu.memory_space<vmem>>
      %dma_wait3A_977 = arith.constant 0 : i32
      %dma_wait3A_978 = arith.constant 0 : i32
      %dma_wait3A_979 = tpu.memref_slice %arg2[%dma_wait3A_977, %dma_wait3A_978] : memref<32768x1024xf32, #tpu.memory_space<hbm>> -> memref<8x1024xf32, #tpu.memory_space<hbm>>
      %dma_wait3A_980 = arith.constant 0 : i32
      %dma_wait3A_981 = arith.constant 0 : i32
      %dma_wait3A_982 = tpu.memref_slice %arg6[%dma_wait3A_972, %dma_wait3A_980, %dma_wait3A_981] : memref<8x8x1024xf32, #tpu.memory_space<vmem>> -> memref<1x8x1024xf32, #tpu.memory_space<vmem>>
      %dma_wait3A_983 = tpu.memref_squeeze %dma_wait3A_982 : memref<1x8x1024xf32, #tpu.memory_space<vmem>> -> memref<8x1024xf32, #tpu.memory_space<vmem>>
      %dma_wait3A_984 = arith.constant 0 : i32
      %dma_wait3A_985 = arith.constant 0 : i32
      %dma_wait3A_986 = tpu.memref_slice %arg2[%dma_wait3A_984, %dma_wait3A_985] : memref<32768x1024xf32, #tpu.memory_space<hbm>> -> memref<8x1024xf32, #tpu.memory_space<hbm>>
      tpu.wait_dma2 semaphore(%arg13 : memref<!tpu.dma_semaphore, #tpu.memory_space<semaphore_mem>>) src(%dma_wait3A_986 : memref<8x1024xf32, #tpu.memory_space<hbm>>) dst(%dma_wait3A_983 : memref<8x1024xf32, #tpu.memory_space<vmem>>)
      %mul3A_987 = arith.constant 8 : i32
      %mul3A_988 = arith.muli %add3A_971, %mul3A_987 : i32
      %add3A_989 = arith.addi %mul3A_2, %mul3A_988 : i32
      %dma_start3A_990 = arith.constant 6 : i32
      %dma_start3A_991 = arith.constant 0 : i32
      %dma_start3A_992 = arith.constant 0 : i32
      %dma_start3A_993 = tpu.memref_slice %arg6[%dma_start3A_990, %dma_start3A_991, %dma_start3A_992] : memref<8x8x1024xf32, #tpu.memory_space<vmem>> -> memref<1x8x1024xf32, #tpu.memory_space<vmem>>
      %dma_start3A_994 = tpu.memref_squeeze %dma_start3A_993 : memref<1x8x1024xf32, #tpu.memory_space<vmem>> -> memref<8x1024xf32, #tpu.memory_space<vmem>>
      %dma_start3A_995 = arith.constant 0 : i32
      %dma_start3A_996 = tpu.memref_slice %arg4[%add3A_989, %dma_start3A_995] : memref<16384x1024xf32, #tpu.memory_space<hbm>> -> memref<8x1024xf32, #tpu.memory_space<hbm>>
      %dma_start3A_997 = arith.constant 0 : i32
      %dma_start3A_998 = tpu.memref_slice %arg4[%add3A_989, %dma_start3A_997] : memref<16384x1024xf32, #tpu.memory_space<hbm>> -> memref<8x1024xf32, #tpu.memory_space<hbm>>
      %dma_start3A_999 = arith.constant 0 : i32
      %dma_start3A_1000 = arith.constant 0 : i32
      %dma_start3A_1001 = tpu.memref_slice %arg6[%dma_start3A_990, %dma_start3A_999, %dma_start3A_1000] : memref<8x8x1024xf32, #tpu.memory_space<vmem>> -> memref<1x8x1024xf32, #tpu.memory_space<vmem>>
      %dma_start3A_1002 = tpu.memref_squeeze %dma_start3A_1001 : memref<1x8x1024xf32, #tpu.memory_space<vmem>> -> memref<8x1024xf32, #tpu.memory_space<vmem>>
      tpu.enqueue_dma source(%dma_start3A_1002 : memref<8x1024xf32, #tpu.memory_space<vmem>>) target(%dma_start3A_998 : memref<8x1024xf32, #tpu.memory_space<hbm>>) target_semaphore(%arg21 : memref<!tpu.dma_semaphore, #tpu.memory_space<semaphore_mem>>)
      %dma_wait3A_1003 = arith.constant 6 : i32
      %dma_wait3A_1004 = arith.constant 0 : i32
      %dma_wait3A_1005 = arith.constant 0 : i32
      %dma_wait3A_1006 = tpu.memref_slice %arg6[%dma_wait3A_1003, %dma_wait3A_1004, %dma_wait3A_1005] : memref<8x8x1024xf32, #tpu.memory_space<vmem>> -> memref<1x8x1024xf32, #tpu.memory_space<vmem>>
      %dma_wait3A_1007 = tpu.memref_squeeze %dma_wait3A_1006 : memref<1x8x1024xf32, #tpu.memory_space<vmem>> -> memref<8x1024xf32, #tpu.memory_space<vmem>>
      %dma_wait3A_1008 = arith.constant 0 : i32
      %dma_wait3A_1009 = arith.constant 0 : i32
      %dma_wait3A_1010 = tpu.memref_slice %arg2[%dma_wait3A_1008, %dma_wait3A_1009] : memref<32768x1024xf32, #tpu.memory_space<hbm>> -> memref<8x1024xf32, #tpu.memory_space<hbm>>
      %dma_wait3A_1011 = arith.constant 0 : i32
      %dma_wait3A_1012 = arith.constant 0 : i32
      %dma_wait3A_1013 = tpu.memref_slice %arg6[%dma_wait3A_1003, %dma_wait3A_1011, %dma_wait3A_1012] : memref<8x8x1024xf32, #tpu.memory_space<vmem>> -> memref<1x8x1024xf32, #tpu.memory_space<vmem>>
      %dma_wait3A_1014 = tpu.memref_squeeze %dma_wait3A_1013 : memref<1x8x1024xf32, #tpu.memory_space<vmem>> -> memref<8x1024xf32, #tpu.memory_space<vmem>>
      %dma_wait3A_1015 = arith.constant 0 : i32
      %dma_wait3A_1016 = arith.constant 0 : i32
      %dma_wait3A_1017 = tpu.memref_slice %arg2[%dma_wait3A_1015, %dma_wait3A_1016] : memref<32768x1024xf32, #tpu.memory_space<hbm>> -> memref<8x1024xf32, #tpu.memory_space<hbm>>
      tpu.wait_dma2 semaphore(%arg21 : memref<!tpu.dma_semaphore, #tpu.memory_space<semaphore_mem>>) src(%dma_wait3A_1017 : memref<8x1024xf32, #tpu.memory_space<hbm>>) dst(%dma_wait3A_1014 : memref<8x1024xf32, #tpu.memory_space<vmem>>)
      %add3A_1018 = arith.constant 8 : i32
      %add3A_1019 = arith.addi %add3A_971, %add3A_1018 : i32
      %mul3A_1020 = arith.constant 8 : i32
      %mul3A_1021 = arith.muli %add3A_1019, %mul3A_1020 : i32
      %dma_start3A_1022 = arith.constant 6 : i32
      %dma_start3A_1023 = arith.constant 0 : i32
      %dma_start3A_1024 = arith.constant 0 : i32
      %dma_start3A_1025 = tpu.memref_slice %arg6[%dma_start3A_1022, %dma_start3A_1023, %dma_start3A_1024] : memref<8x8x1024xf32, #tpu.memory_space<vmem>> -> memref<1x8x1024xf32, #tpu.memory_space<vmem>>
      %dma_start3A_1026 = tpu.memref_squeeze %dma_start3A_1025 : memref<1x8x1024xf32, #tpu.memory_space<vmem>> -> memref<8x1024xf32, #tpu.memory_space<vmem>>
      %dma_start3A_1027 = tpu.memref_slice %arg5[%mul3A_1021] : memref<512xi32, #tpu.memory_space<vmem>> -> memref<8xi32, #tpu.memory_space<vmem>>
      %dma_start3A_1028 = arith.constant 0 : i32
      %dma_start3A_1029 = arith.constant 0 : i32
      %dma_start3A_1030 = tpu.memref_slice %arg2[%dma_start3A_1028, %dma_start3A_1029] : memref<32768x1024xf32, #tpu.memory_space<hbm>> -> memref<32768x1024xf32, #tpu.memory_space<hbm>>
      tpu.enqueue_indirect_dma source(%dma_start3A_1030 : memref<32768x1024xf32, #tpu.memory_space<hbm>>) target(%dma_start3A_1026 : memref<8x1024xf32, #tpu.memory_space<vmem>>) offsets(%dma_start3A_1027 : memref<8xi32, #tpu.memory_space<vmem>>) semaphore(%arg13 : memref<!tpu.dma_semaphore, #tpu.memory_space<semaphore_mem>>)
      %mul3A_1031 = arith.constant 8 : i32
      %mul3A_1032 = arith.muli %add3A_525, %mul3A_1031 : i32
      %add3A_1033 = arith.constant 7 : i32
      %add3A_1034 = arith.addi %mul3A_1032, %add3A_1033 : i32
      %dma_wait3A_1035 = arith.constant 7 : i32
      %dma_wait3A_1036 = arith.constant 0 : i32
      %dma_wait3A_1037 = arith.constant 0 : i32
      %dma_wait3A_1038 = tpu.memref_slice %arg6[%dma_wait3A_1035, %dma_wait3A_1036, %dma_wait3A_1037] : memref<8x8x1024xf32, #tpu.memory_space<vmem>> -> memref<1x8x1024xf32, #tpu.memory_space<vmem>>
      %dma_wait3A_1039 = tpu.memref_squeeze %dma_wait3A_1038 : memref<1x8x1024xf32, #tpu.memory_space<vmem>> -> memref<8x1024xf32, #tpu.memory_space<vmem>>
      %dma_wait3A_1040 = arith.constant 0 : i32
      %dma_wait3A_1041 = arith.constant 0 : i32
      %dma_wait3A_1042 = tpu.memref_slice %arg2[%dma_wait3A_1040, %dma_wait3A_1041] : memref<32768x1024xf32, #tpu.memory_space<hbm>> -> memref<8x1024xf32, #tpu.memory_space<hbm>>
      %dma_wait3A_1043 = arith.constant 0 : i32
      %dma_wait3A_1044 = arith.constant 0 : i32
      %dma_wait3A_1045 = tpu.memref_slice %arg6[%dma_wait3A_1035, %dma_wait3A_1043, %dma_wait3A_1044] : memref<8x8x1024xf32, #tpu.memory_space<vmem>> -> memref<1x8x1024xf32, #tpu.memory_space<vmem>>
      %dma_wait3A_1046 = tpu.memref_squeeze %dma_wait3A_1045 : memref<1x8x1024xf32, #tpu.memory_space<vmem>> -> memref<8x1024xf32, #tpu.memory_space<vmem>>
      %dma_wait3A_1047 = arith.constant 0 : i32
      %dma_wait3A_1048 = arith.constant 0 : i32
      %dma_wait3A_1049 = tpu.memref_slice %arg2[%dma_wait3A_1047, %dma_wait3A_1048] : memref<32768x1024xf32, #tpu.memory_space<hbm>> -> memref<8x1024xf32, #tpu.memory_space<hbm>>
      tpu.wait_dma2 semaphore(%arg14 : memref<!tpu.dma_semaphore, #tpu.memory_space<semaphore_mem>>) src(%dma_wait3A_1049 : memref<8x1024xf32, #tpu.memory_space<hbm>>) dst(%dma_wait3A_1046 : memref<8x1024xf32, #tpu.memory_space<vmem>>)
      %mul3A_1050 = arith.constant 8 : i32
      %mul3A_1051 = arith.muli %add3A_1034, %mul3A_1050 : i32
      %add3A_1052 = arith.addi %mul3A_2, %mul3A_1051 : i32
      %dma_start3A_1053 = arith.constant 7 : i32
      %dma_start3A_1054 = arith.constant 0 : i32
      %dma_start3A_1055 = arith.constant 0 : i32
      %dma_start3A_1056 = tpu.memref_slice %arg6[%dma_start3A_1053, %dma_start3A_1054, %dma_start3A_1055] : memref<8x8x1024xf32, #tpu.memory_space<vmem>> -> memref<1x8x1024xf32, #tpu.memory_space<vmem>>
      %dma_start3A_1057 = tpu.memref_squeeze %dma_start3A_1056 : memref<1x8x1024xf32, #tpu.memory_space<vmem>> -> memref<8x1024xf32, #tpu.memory_space<vmem>>
      %dma_start3A_1058 = arith.constant 0 : i32
      %dma_start3A_1059 = tpu.memref_slice %arg4[%add3A_1052, %dma_start3A_1058] : memref<16384x1024xf32, #tpu.memory_space<hbm>> -> memref<8x1024xf32, #tpu.memory_space<hbm>>
      %dma_start3A_1060 = arith.constant 0 : i32
      %dma_start3A_1061 = tpu.memref_slice %arg4[%add3A_1052, %dma_start3A_1060] : memref<16384x1024xf32, #tpu.memory_space<hbm>> -> memref<8x1024xf32, #tpu.memory_space<hbm>>
      %dma_start3A_1062 = arith.constant 0 : i32
      %dma_start3A_1063 = arith.constant 0 : i32
      %dma_start3A_1064 = tpu.memref_slice %arg6[%dma_start3A_1053, %dma_start3A_1062, %dma_start3A_1063] : memref<8x8x1024xf32, #tpu.memory_space<vmem>> -> memref<1x8x1024xf32, #tpu.memory_space<vmem>>
      %dma_start3A_1065 = tpu.memref_squeeze %dma_start3A_1064 : memref<1x8x1024xf32, #tpu.memory_space<vmem>> -> memref<8x1024xf32, #tpu.memory_space<vmem>>
      tpu.enqueue_dma source(%dma_start3A_1065 : memref<8x1024xf32, #tpu.memory_space<vmem>>) target(%dma_start3A_1061 : memref<8x1024xf32, #tpu.memory_space<hbm>>) target_semaphore(%arg22 : memref<!tpu.dma_semaphore, #tpu.memory_space<semaphore_mem>>)
      %dma_wait3A_1066 = arith.constant 7 : i32
      %dma_wait3A_1067 = arith.constant 0 : i32
      %dma_wait3A_1068 = arith.constant 0 : i32
      %dma_wait3A_1069 = tpu.memref_slice %arg6[%dma_wait3A_1066, %dma_wait3A_1067, %dma_wait3A_1068] : memref<8x8x1024xf32, #tpu.memory_space<vmem>> -> memref<1x8x1024xf32, #tpu.memory_space<vmem>>
      %dma_wait3A_1070 = tpu.memref_squeeze %dma_wait3A_1069 : memref<1x8x1024xf32, #tpu.memory_space<vmem>> -> memref<8x1024xf32, #tpu.memory_space<vmem>>
      %dma_wait3A_1071 = arith.constant 0 : i32
      %dma_wait3A_1072 = arith.constant 0 : i32
      %dma_wait3A_1073 = tpu.memref_slice %arg2[%dma_wait3A_1071, %dma_wait3A_1072] : memref<32768x1024xf32, #tpu.memory_space<hbm>> -> memref<8x1024xf32, #tpu.memory_space<hbm>>
      %dma_wait3A_1074 = arith.constant 0 : i32
      %dma_wait3A_1075 = arith.constant 0 : i32
      %dma_wait3A_1076 = tpu.memref_slice %arg6[%dma_wait3A_1066, %dma_wait3A_1074, %dma_wait3A_1075] : memref<8x8x1024xf32, #tpu.memory_space<vmem>> -> memref<1x8x1024xf32, #tpu.memory_space<vmem>>
      %dma_wait3A_1077 = tpu.memref_squeeze %dma_wait3A_1076 : memref<1x8x1024xf32, #tpu.memory_space<vmem>> -> memref<8x1024xf32, #tpu.memory_space<vmem>>
      %dma_wait3A_1078 = arith.constant 0 : i32
      %dma_wait3A_1079 = arith.constant 0 : i32
      %dma_wait3A_1080 = tpu.memref_slice %arg2[%dma_wait3A_1078, %dma_wait3A_1079] : memref<32768x1024xf32, #tpu.memory_space<hbm>> -> memref<8x1024xf32, #tpu.memory_space<hbm>>
      tpu.wait_dma2 semaphore(%arg22 : memref<!tpu.dma_semaphore, #tpu.memory_space<semaphore_mem>>) src(%dma_wait3A_1080 : memref<8x1024xf32, #tpu.memory_space<hbm>>) dst(%dma_wait3A_1077 : memref<8x1024xf32, #tpu.memory_space<vmem>>)
      %add3A_1081 = arith.constant 8 : i32
      %add3A_1082 = arith.addi %add3A_1034, %add3A_1081 : i32
      %mul3A_1083 = arith.constant 8 : i32
      %mul3A_1084 = arith.muli %add3A_1082, %mul3A_1083 : i32
      %dma_start3A_1085 = arith.constant 7 : i32
      %dma_start3A_1086 = arith.constant 0 : i32
      %dma_start3A_1087 = arith.constant 0 : i32
      %dma_start3A_1088 = tpu.memref_slice %arg6[%dma_start3A_1085, %dma_start3A_1086, %dma_start3A_1087] : memref<8x8x1024xf32, #tpu.memory_space<vmem>> -> memref<1x8x1024xf32, #tpu.memory_space<vmem>>
      %dma_start3A_1089 = tpu.memref_squeeze %dma_start3A_1088 : memref<1x8x1024xf32, #tpu.memory_space<vmem>> -> memref<8x1024xf32, #tpu.memory_space<vmem>>
      %dma_start3A_1090 = tpu.memref_slice %arg5[%mul3A_1084] : memref<512xi32, #tpu.memory_space<vmem>> -> memref<8xi32, #tpu.memory_space<vmem>>
      %dma_start3A_1091 = arith.constant 0 : i32
      %dma_start3A_1092 = arith.constant 0 : i32
      %dma_start3A_1093 = tpu.memref_slice %arg2[%dma_start3A_1091, %dma_start3A_1092] : memref<32768x1024xf32, #tpu.memory_space<hbm>> -> memref<32768x1024xf32, #tpu.memory_space<hbm>>
      tpu.enqueue_indirect_dma source(%dma_start3A_1093 : memref<32768x1024xf32, #tpu.memory_space<hbm>>) target(%dma_start3A_1089 : memref<8x1024xf32, #tpu.memory_space<vmem>>) offsets(%dma_start3A_1090 : memref<8xi32, #tpu.memory_space<vmem>>) semaphore(%arg14 : memref<!tpu.dma_semaphore, #tpu.memory_space<semaphore_mem>>)
    }
    %scan3A_160 = arith.constant 7 : i32
    %dma_wait3A_161 = arith.constant 0 : i32
    %dma_wait3A_162 = arith.constant 0 : i32
    %dma_wait3A_163 = arith.constant 0 : i32
    %dma_wait3A_164 = tpu.memref_slice %arg6[%dma_wait3A_161, %dma_wait3A_162, %dma_wait3A_163] : memref<8x8x1024xf32, #tpu.memory_space<vmem>> -> memref<1x8x1024xf32, #tpu.memory_space<vmem>>
    %dma_wait3A_165 = tpu.memref_squeeze %dma_wait3A_164 : memref<1x8x1024xf32, #tpu.memory_space<vmem>> -> memref<8x1024xf32, #tpu.memory_space<vmem>>
    %dma_wait3A_166 = arith.constant 0 : i32
    %dma_wait3A_167 = arith.constant 0 : i32
    %dma_wait3A_168 = tpu.memref_slice %arg2[%dma_wait3A_166, %dma_wait3A_167] : memref<32768x1024xf32, #tpu.memory_space<hbm>> -> memref<8x1024xf32, #tpu.memory_space<hbm>>
    %dma_wait3A_169 = arith.constant 0 : i32
    %dma_wait3A_170 = arith.constant 0 : i32
    %dma_wait3A_171 = tpu.memref_slice %arg6[%dma_wait3A_161, %dma_wait3A_169, %dma_wait3A_170] : memref<8x8x1024xf32, #tpu.memory_space<vmem>> -> memref<1x8x1024xf32, #tpu.memory_space<vmem>>
    %dma_wait3A_172 = tpu.memref_squeeze %dma_wait3A_171 : memref<1x8x1024xf32, #tpu.memory_space<vmem>> -> memref<8x1024xf32, #tpu.memory_space<vmem>>
    %dma_wait3A_173 = arith.constant 0 : i32
    %dma_wait3A_174 = arith.constant 0 : i32
    %dma_wait3A_175 = tpu.memref_slice %arg2[%dma_wait3A_173, %dma_wait3A_174] : memref<32768x1024xf32, #tpu.memory_space<hbm>> -> memref<8x1024xf32, #tpu.memory_space<hbm>>
    tpu.wait_dma2 semaphore(%arg7 : memref<!tpu.dma_semaphore, #tpu.memory_space<semaphore_mem>>) src(%dma_wait3A_175 : memref<8x1024xf32, #tpu.memory_space<hbm>>) dst(%dma_wait3A_172 : memref<8x1024xf32, #tpu.memory_space<vmem>>)
    %add3A_176 = arith.constant 448 : i32
    %add3A_177 = arith.addi %mul3A_2, %add3A_176 : i32
    %dma_start3A_178 = arith.constant 0 : i32
    %dma_start3A_179 = arith.constant 0 : i32
    %dma_start3A_180 = arith.constant 0 : i32
    %dma_start3A_181 = tpu.memref_slice %arg6[%dma_start3A_178, %dma_start3A_179, %dma_start3A_180] : memref<8x8x1024xf32, #tpu.memory_space<vmem>> -> memref<1x8x1024xf32, #tpu.memory_space<vmem>>
    %dma_start3A_182 = tpu.memref_squeeze %dma_start3A_181 : memref<1x8x1024xf32, #tpu.memory_space<vmem>> -> memref<8x1024xf32, #tpu.memory_space<vmem>>
    %dma_start3A_183 = arith.constant 0 : i32
    %dma_start3A_184 = tpu.memref_slice %arg4[%add3A_177, %dma_start3A_183] : memref<16384x1024xf32, #tpu.memory_space<hbm>> -> memref<8x1024xf32, #tpu.memory_space<hbm>>
    %dma_start3A_185 = arith.constant 0 : i32
    %dma_start3A_186 = tpu.memref_slice %arg4[%add3A_177, %dma_start3A_185] : memref<16384x1024xf32, #tpu.memory_space<hbm>> -> memref<8x1024xf32, #tpu.memory_space<hbm>>
    %dma_start3A_187 = arith.constant 0 : i32
    %dma_start3A_188 = arith.constant 0 : i32
    %dma_start3A_189 = tpu.memref_slice %arg6[%dma_start3A_178, %dma_start3A_187, %dma_start3A_188] : memref<8x8x1024xf32, #tpu.memory_space<vmem>> -> memref<1x8x1024xf32, #tpu.memory_space<vmem>>
    %dma_start3A_190 = tpu.memref_squeeze %dma_start3A_189 : memref<1x8x1024xf32, #tpu.memory_space<vmem>> -> memref<8x1024xf32, #tpu.memory_space<vmem>>
    tpu.enqueue_dma source(%dma_start3A_190 : memref<8x1024xf32, #tpu.memory_space<vmem>>) target(%dma_start3A_186 : memref<8x1024xf32, #tpu.memory_space<hbm>>) target_semaphore(%arg15 : memref<!tpu.dma_semaphore, #tpu.memory_space<semaphore_mem>>)
    %dma_wait3A_191 = arith.constant 1 : i32
    %dma_wait3A_192 = arith.constant 0 : i32
    %dma_wait3A_193 = arith.constant 0 : i32
    %dma_wait3A_194 = tpu.memref_slice %arg6[%dma_wait3A_191, %dma_wait3A_192, %dma_wait3A_193] : memref<8x8x1024xf32, #tpu.memory_space<vmem>> -> memref<1x8x1024xf32, #tpu.memory_space<vmem>>
    %dma_wait3A_195 = tpu.memref_squeeze %dma_wait3A_194 : memref<1x8x1024xf32, #tpu.memory_space<vmem>> -> memref<8x1024xf32, #tpu.memory_space<vmem>>
    %dma_wait3A_196 = arith.constant 0 : i32
    %dma_wait3A_197 = arith.constant 0 : i32
    %dma_wait3A_198 = tpu.memref_slice %arg2[%dma_wait3A_196, %dma_wait3A_197] : memref<32768x1024xf32, #tpu.memory_space<hbm>> -> memref<8x1024xf32, #tpu.memory_space<hbm>>
    %dma_wait3A_199 = arith.constant 0 : i32
    %dma_wait3A_200 = arith.constant 0 : i32
    %dma_wait3A_201 = tpu.memref_slice %arg6[%dma_wait3A_191, %dma_wait3A_199, %dma_wait3A_200] : memref<8x8x1024xf32, #tpu.memory_space<vmem>> -> memref<1x8x1024xf32, #tpu.memory_space<vmem>>
    %dma_wait3A_202 = tpu.memref_squeeze %dma_wait3A_201 : memref<1x8x1024xf32, #tpu.memory_space<vmem>> -> memref<8x1024xf32, #tpu.memory_space<vmem>>
    %dma_wait3A_203 = arith.constant 0 : i32
    %dma_wait3A_204 = arith.constant 0 : i32
    %dma_wait3A_205 = tpu.memref_slice %arg2[%dma_wait3A_203, %dma_wait3A_204] : memref<32768x1024xf32, #tpu.memory_space<hbm>> -> memref<8x1024xf32, #tpu.memory_space<hbm>>
    tpu.wait_dma2 semaphore(%arg8 : memref<!tpu.dma_semaphore, #tpu.memory_space<semaphore_mem>>) src(%dma_wait3A_205 : memref<8x1024xf32, #tpu.memory_space<hbm>>) dst(%dma_wait3A_202 : memref<8x1024xf32, #tpu.memory_space<vmem>>)
    %add3A_206 = arith.constant 456 : i32
    %add3A_207 = arith.addi %mul3A_2, %add3A_206 : i32
    %dma_start3A_208 = arith.constant 1 : i32
    %dma_start3A_209 = arith.constant 0 : i32
    %dma_start3A_210 = arith.constant 0 : i32
    %dma_start3A_211 = tpu.memref_slice %arg6[%dma_start3A_208, %dma_start3A_209, %dma_start3A_210] : memref<8x8x1024xf32, #tpu.memory_space<vmem>> -> memref<1x8x1024xf32, #tpu.memory_space<vmem>>
    %dma_start3A_212 = tpu.memref_squeeze %dma_start3A_211 : memref<1x8x1024xf32, #tpu.memory_space<vmem>> -> memref<8x1024xf32, #tpu.memory_space<vmem>>
    %dma_start3A_213 = arith.constant 0 : i32
    %dma_start3A_214 = tpu.memref_slice %arg4[%add3A_207, %dma_start3A_213] : memref<16384x1024xf32, #tpu.memory_space<hbm>> -> memref<8x1024xf32, #tpu.memory_space<hbm>>
    %dma_start3A_215 = arith.constant 0 : i32
    %dma_start3A_216 = tpu.memref_slice %arg4[%add3A_207, %dma_start3A_215] : memref<16384x1024xf32, #tpu.memory_space<hbm>> -> memref<8x1024xf32, #tpu.memory_space<hbm>>
    %dma_start3A_217 = arith.constant 0 : i32
    %dma_start3A_218 = arith.constant 0 : i32
    %dma_start3A_219 = tpu.memref_slice %arg6[%dma_start3A_208, %dma_start3A_217, %dma_start3A_218] : memref<8x8x1024xf32, #tpu.memory_space<vmem>> -> memref<1x8x1024xf32, #tpu.memory_space<vmem>>
    %dma_start3A_220 = tpu.memref_squeeze %dma_start3A_219 : memref<1x8x1024xf32, #tpu.memory_space<vmem>> -> memref<8x1024xf32, #tpu.memory_space<vmem>>
    tpu.enqueue_dma source(%dma_start3A_220 : memref<8x1024xf32, #tpu.memory_space<vmem>>) target(%dma_start3A_216 : memref<8x1024xf32, #tpu.memory_space<hbm>>) target_semaphore(%arg16 : memref<!tpu.dma_semaphore, #tpu.memory_space<semaphore_mem>>)
    %dma_wait3A_221 = arith.constant 2 : i32
    %dma_wait3A_222 = arith.constant 0 : i32
    %dma_wait3A_223 = arith.constant 0 : i32
    %dma_wait3A_224 = tpu.memref_slice %arg6[%dma_wait3A_221, %dma_wait3A_222, %dma_wait3A_223] : memref<8x8x1024xf32, #tpu.memory_space<vmem>> -> memref<1x8x1024xf32, #tpu.memory_space<vmem>>
    %dma_wait3A_225 = tpu.memref_squeeze %dma_wait3A_224 : memref<1x8x1024xf32, #tpu.memory_space<vmem>> -> memref<8x1024xf32, #tpu.memory_space<vmem>>
    %dma_wait3A_226 = arith.constant 0 : i32
    %dma_wait3A_227 = arith.constant 0 : i32
    %dma_wait3A_228 = tpu.memref_slice %arg2[%dma_wait3A_226, %dma_wait3A_227] : memref<32768x1024xf32, #tpu.memory_space<hbm>> -> memref<8x1024xf32, #tpu.memory_space<hbm>>
    %dma_wait3A_229 = arith.constant 0 : i32
    %dma_wait3A_230 = arith.constant 0 : i32
    %dma_wait3A_231 = tpu.memref_slice %arg6[%dma_wait3A_221, %dma_wait3A_229, %dma_wait3A_230] : memref<8x8x1024xf32, #tpu.memory_space<vmem>> -> memref<1x8x1024xf32, #tpu.memory_space<vmem>>
    %dma_wait3A_232 = tpu.memref_squeeze %dma_wait3A_231 : memref<1x8x1024xf32, #tpu.memory_space<vmem>> -> memref<8x1024xf32, #tpu.memory_space<vmem>>
    %dma_wait3A_233 = arith.constant 0 : i32
    %dma_wait3A_234 = arith.constant 0 : i32
    %dma_wait3A_235 = tpu.memref_slice %arg2[%dma_wait3A_233, %dma_wait3A_234] : memref<32768x1024xf32, #tpu.memory_space<hbm>> -> memref<8x1024xf32, #tpu.memory_space<hbm>>
    tpu.wait_dma2 semaphore(%arg9 : memref<!tpu.dma_semaphore, #tpu.memory_space<semaphore_mem>>) src(%dma_wait3A_235 : memref<8x1024xf32, #tpu.memory_space<hbm>>) dst(%dma_wait3A_232 : memref<8x1024xf32, #tpu.memory_space<vmem>>)
    %add3A_236 = arith.constant 464 : i32
    %add3A_237 = arith.addi %mul3A_2, %add3A_236 : i32
    %dma_start3A_238 = arith.constant 2 : i32
    %dma_start3A_239 = arith.constant 0 : i32
    %dma_start3A_240 = arith.constant 0 : i32
    %dma_start3A_241 = tpu.memref_slice %arg6[%dma_start3A_238, %dma_start3A_239, %dma_start3A_240] : memref<8x8x1024xf32, #tpu.memory_space<vmem>> -> memref<1x8x1024xf32, #tpu.memory_space<vmem>>
    %dma_start3A_242 = tpu.memref_squeeze %dma_start3A_241 : memref<1x8x1024xf32, #tpu.memory_space<vmem>> -> memref<8x1024xf32, #tpu.memory_space<vmem>>
    %dma_start3A_243 = arith.constant 0 : i32
    %dma_start3A_244 = tpu.memref_slice %arg4[%add3A_237, %dma_start3A_243] : memref<16384x1024xf32, #tpu.memory_space<hbm>> -> memref<8x1024xf32, #tpu.memory_space<hbm>>
    %dma_start3A_245 = arith.constant 0 : i32
    %dma_start3A_246 = tpu.memref_slice %arg4[%add3A_237, %dma_start3A_245] : memref<16384x1024xf32, #tpu.memory_space<hbm>> -> memref<8x1024xf32, #tpu.memory_space<hbm>>
    %dma_start3A_247 = arith.constant 0 : i32
    %dma_start3A_248 = arith.constant 0 : i32
    %dma_start3A_249 = tpu.memref_slice %arg6[%dma_start3A_238, %dma_start3A_247, %dma_start3A_248] : memref<8x8x1024xf32, #tpu.memory_space<vmem>> -> memref<1x8x1024xf32, #tpu.memory_space<vmem>>
    %dma_start3A_250 = tpu.memref_squeeze %dma_start3A_249 : memref<1x8x1024xf32, #tpu.memory_space<vmem>> -> memref<8x1024xf32, #tpu.memory_space<vmem>>
    tpu.enqueue_dma source(%dma_start3A_250 : memref<8x1024xf32, #tpu.memory_space<vmem>>) target(%dma_start3A_246 : memref<8x1024xf32, #tpu.memory_space<hbm>>) target_semaphore(%arg17 : memref<!tpu.dma_semaphore, #tpu.memory_space<semaphore_mem>>)
    %dma_wait3A_251 = arith.constant 3 : i32
    %dma_wait3A_252 = arith.constant 0 : i32
    %dma_wait3A_253 = arith.constant 0 : i32
    %dma_wait3A_254 = tpu.memref_slice %arg6[%dma_wait3A_251, %dma_wait3A_252, %dma_wait3A_253] : memref<8x8x1024xf32, #tpu.memory_space<vmem>> -> memref<1x8x1024xf32, #tpu.memory_space<vmem>>
    %dma_wait3A_255 = tpu.memref_squeeze %dma_wait3A_254 : memref<1x8x1024xf32, #tpu.memory_space<vmem>> -> memref<8x1024xf32, #tpu.memory_space<vmem>>
    %dma_wait3A_256 = arith.constant 0 : i32
    %dma_wait3A_257 = arith.constant 0 : i32
    %dma_wait3A_258 = tpu.memref_slice %arg2[%dma_wait3A_256, %dma_wait3A_257] : memref<32768x1024xf32, #tpu.memory_space<hbm>> -> memref<8x1024xf32, #tpu.memory_space<hbm>>
    %dma_wait3A_259 = arith.constant 0 : i32
    %dma_wait3A_260 = arith.constant 0 : i32
    %dma_wait3A_261 = tpu.memref_slice %arg6[%dma_wait3A_251, %dma_wait3A_259, %dma_wait3A_260] : memref<8x8x1024xf32, #tpu.memory_space<vmem>> -> memref<1x8x1024xf32, #tpu.memory_space<vmem>>
    %dma_wait3A_262 = tpu.memref_squeeze %dma_wait3A_261 : memref<1x8x1024xf32, #tpu.memory_space<vmem>> -> memref<8x1024xf32, #tpu.memory_space<vmem>>
    %dma_wait3A_263 = arith.constant 0 : i32
    %dma_wait3A_264 = arith.constant 0 : i32
    %dma_wait3A_265 = tpu.memref_slice %arg2[%dma_wait3A_263, %dma_wait3A_264] : memref<32768x1024xf32, #tpu.memory_space<hbm>> -> memref<8x1024xf32, #tpu.memory_space<hbm>>
    tpu.wait_dma2 semaphore(%arg10 : memref<!tpu.dma_semaphore, #tpu.memory_space<semaphore_mem>>) src(%dma_wait3A_265 : memref<8x1024xf32, #tpu.memory_space<hbm>>) dst(%dma_wait3A_262 : memref<8x1024xf32, #tpu.memory_space<vmem>>)
    %add3A_266 = arith.constant 472 : i32
    %add3A_267 = arith.addi %mul3A_2, %add3A_266 : i32
    %dma_start3A_268 = arith.constant 3 : i32
    %dma_start3A_269 = arith.constant 0 : i32
    %dma_start3A_270 = arith.constant 0 : i32
    %dma_start3A_271 = tpu.memref_slice %arg6[%dma_start3A_268, %dma_start3A_269, %dma_start3A_270] : memref<8x8x1024xf32, #tpu.memory_space<vmem>> -> memref<1x8x1024xf32, #tpu.memory_space<vmem>>
    %dma_start3A_272 = tpu.memref_squeeze %dma_start3A_271 : memref<1x8x1024xf32, #tpu.memory_space<vmem>> -> memref<8x1024xf32, #tpu.memory_space<vmem>>
    %dma_start3A_273 = arith.constant 0 : i32
    %dma_start3A_274 = tpu.memref_slice %arg4[%add3A_267, %dma_start3A_273] : memref<16384x1024xf32, #tpu.memory_space<hbm>> -> memref<8x1024xf32, #tpu.memory_space<hbm>>
    %dma_start3A_275 = arith.constant 0 : i32
    %dma_start3A_276 = tpu.memref_slice %arg4[%add3A_267, %dma_start3A_275] : memref<16384x1024xf32, #tpu.memory_space<hbm>> -> memref<8x1024xf32, #tpu.memory_space<hbm>>
    %dma_start3A_277 = arith.constant 0 : i32
    %dma_start3A_278 = arith.constant 0 : i32
    %dma_start3A_279 = tpu.memref_slice %arg6[%dma_start3A_268, %dma_start3A_277, %dma_start3A_278] : memref<8x8x1024xf32, #tpu.memory_space<vmem>> -> memref<1x8x1024xf32, #tpu.memory_space<vmem>>
    %dma_start3A_280 = tpu.memref_squeeze %dma_start3A_279 : memref<1x8x1024xf32, #tpu.memory_space<vmem>> -> memref<8x1024xf32, #tpu.memory_space<vmem>>
    tpu.enqueue_dma source(%dma_start3A_280 : memref<8x1024xf32, #tpu.memory_space<vmem>>) target(%dma_start3A_276 : memref<8x1024xf32, #tpu.memory_space<hbm>>) target_semaphore(%arg18 : memref<!tpu.dma_semaphore, #tpu.memory_space<semaphore_mem>>)
    %dma_wait3A_281 = arith.constant 4 : i32
    %dma_wait3A_282 = arith.constant 0 : i32
    %dma_wait3A_283 = arith.constant 0 : i32
    %dma_wait3A_284 = tpu.memref_slice %arg6[%dma_wait3A_281, %dma_wait3A_282, %dma_wait3A_283] : memref<8x8x1024xf32, #tpu.memory_space<vmem>> -> memref<1x8x1024xf32, #tpu.memory_space<vmem>>
    %dma_wait3A_285 = tpu.memref_squeeze %dma_wait3A_284 : memref<1x8x1024xf32, #tpu.memory_space<vmem>> -> memref<8x1024xf32, #tpu.memory_space<vmem>>
    %dma_wait3A_286 = arith.constant 0 : i32
    %dma_wait3A_287 = arith.constant 0 : i32
    %dma_wait3A_288 = tpu.memref_slice %arg2[%dma_wait3A_286, %dma_wait3A_287] : memref<32768x1024xf32, #tpu.memory_space<hbm>> -> memref<8x1024xf32, #tpu.memory_space<hbm>>
    %dma_wait3A_289 = arith.constant 0 : i32
    %dma_wait3A_290 = arith.constant 0 : i32
    %dma_wait3A_291 = tpu.memref_slice %arg6[%dma_wait3A_281, %dma_wait3A_289, %dma_wait3A_290] : memref<8x8x1024xf32, #tpu.memory_space<vmem>> -> memref<1x8x1024xf32, #tpu.memory_space<vmem>>
    %dma_wait3A_292 = tpu.memref_squeeze %dma_wait3A_291 : memref<1x8x1024xf32, #tpu.memory_space<vmem>> -> memref<8x1024xf32, #tpu.memory_space<vmem>>
    %dma_wait3A_293 = arith.constant 0 : i32
    %dma_wait3A_294 = arith.constant 0 : i32
    %dma_wait3A_295 = tpu.memref_slice %arg2[%dma_wait3A_293, %dma_wait3A_294] : memref<32768x1024xf32, #tpu.memory_space<hbm>> -> memref<8x1024xf32, #tpu.memory_space<hbm>>
    tpu.wait_dma2 semaphore(%arg11 : memref<!tpu.dma_semaphore, #tpu.memory_space<semaphore_mem>>) src(%dma_wait3A_295 : memref<8x1024xf32, #tpu.memory_space<hbm>>) dst(%dma_wait3A_292 : memref<8x1024xf32, #tpu.memory_space<vmem>>)
    %add3A_296 = arith.constant 480 : i32
    %add3A_297 = arith.addi %mul3A_2, %add3A_296 : i32
    %dma_start3A_298 = arith.constant 4 : i32
    %dma_start3A_299 = arith.constant 0 : i32
    %dma_start3A_300 = arith.constant 0 : i32
    %dma_start3A_301 = tpu.memref_slice %arg6[%dma_start3A_298, %dma_start3A_299, %dma_start3A_300] : memref<8x8x1024xf32, #tpu.memory_space<vmem>> -> memref<1x8x1024xf32, #tpu.memory_space<vmem>>
    %dma_start3A_302 = tpu.memref_squeeze %dma_start3A_301 : memref<1x8x1024xf32, #tpu.memory_space<vmem>> -> memref<8x1024xf32, #tpu.memory_space<vmem>>
    %dma_start3A_303 = arith.constant 0 : i32
    %dma_start3A_304 = tpu.memref_slice %arg4[%add3A_297, %dma_start3A_303] : memref<16384x1024xf32, #tpu.memory_space<hbm>> -> memref<8x1024xf32, #tpu.memory_space<hbm>>
    %dma_start3A_305 = arith.constant 0 : i32
    %dma_start3A_306 = tpu.memref_slice %arg4[%add3A_297, %dma_start3A_305] : memref<16384x1024xf32, #tpu.memory_space<hbm>> -> memref<8x1024xf32, #tpu.memory_space<hbm>>
    %dma_start3A_307 = arith.constant 0 : i32
    %dma_start3A_308 = arith.constant 0 : i32
    %dma_start3A_309 = tpu.memref_slice %arg6[%dma_start3A_298, %dma_start3A_307, %dma_start3A_308] : memref<8x8x1024xf32, #tpu.memory_space<vmem>> -> memref<1x8x1024xf32, #tpu.memory_space<vmem>>
    %dma_start3A_310 = tpu.memref_squeeze %dma_start3A_309 : memref<1x8x1024xf32, #tpu.memory_space<vmem>> -> memref<8x1024xf32, #tpu.memory_space<vmem>>
    tpu.enqueue_dma source(%dma_start3A_310 : memref<8x1024xf32, #tpu.memory_space<vmem>>) target(%dma_start3A_306 : memref<8x1024xf32, #tpu.memory_space<hbm>>) target_semaphore(%arg19 : memref<!tpu.dma_semaphore, #tpu.memory_space<semaphore_mem>>)
    %dma_wait3A_311 = arith.constant 5 : i32
    %dma_wait3A_312 = arith.constant 0 : i32
    %dma_wait3A_313 = arith.constant 0 : i32
    %dma_wait3A_314 = tpu.memref_slice %arg6[%dma_wait3A_311, %dma_wait3A_312, %dma_wait3A_313] : memref<8x8x1024xf32, #tpu.memory_space<vmem>> -> memref<1x8x1024xf32, #tpu.memory_space<vmem>>
    %dma_wait3A_315 = tpu.memref_squeeze %dma_wait3A_314 : memref<1x8x1024xf32, #tpu.memory_space<vmem>> -> memref<8x1024xf32, #tpu.memory_space<vmem>>
    %dma_wait3A_316 = arith.constant 0 : i32
    %dma_wait3A_317 = arith.constant 0 : i32
    %dma_wait3A_318 = tpu.memref_slice %arg2[%dma_wait3A_316, %dma_wait3A_317] : memref<32768x1024xf32, #tpu.memory_space<hbm>> -> memref<8x1024xf32, #tpu.memory_space<hbm>>
    %dma_wait3A_319 = arith.constant 0 : i32
    %dma_wait3A_320 = arith.constant 0 : i32
    %dma_wait3A_321 = tpu.memref_slice %arg6[%dma_wait3A_311, %dma_wait3A_319, %dma_wait3A_320] : memref<8x8x1024xf32, #tpu.memory_space<vmem>> -> memref<1x8x1024xf32, #tpu.memory_space<vmem>>
    %dma_wait3A_322 = tpu.memref_squeeze %dma_wait3A_321 : memref<1x8x1024xf32, #tpu.memory_space<vmem>> -> memref<8x1024xf32, #tpu.memory_space<vmem>>
    %dma_wait3A_323 = arith.constant 0 : i32
    %dma_wait3A_324 = arith.constant 0 : i32
    %dma_wait3A_325 = tpu.memref_slice %arg2[%dma_wait3A_323, %dma_wait3A_324] : memref<32768x1024xf32, #tpu.memory_space<hbm>> -> memref<8x1024xf32, #tpu.memory_space<hbm>>
    tpu.wait_dma2 semaphore(%arg12 : memref<!tpu.dma_semaphore, #tpu.memory_space<semaphore_mem>>) src(%dma_wait3A_325 : memref<8x1024xf32, #tpu.memory_space<hbm>>) dst(%dma_wait3A_322 : memref<8x1024xf32, #tpu.memory_space<vmem>>)
    %add3A_326 = arith.constant 488 : i32
    %add3A_327 = arith.addi %mul3A_2, %add3A_326 : i32
    %dma_start3A_328 = arith.constant 5 : i32
    %dma_start3A_329 = arith.constant 0 : i32
    %dma_start3A_330 = arith.constant 0 : i32
    %dma_start3A_331 = tpu.memref_slice %arg6[%dma_start3A_328, %dma_start3A_329, %dma_start3A_330] : memref<8x8x1024xf32, #tpu.memory_space<vmem>> -> memref<1x8x1024xf32, #tpu.memory_space<vmem>>
    %dma_start3A_332 = tpu.memref_squeeze %dma_start3A_331 : memref<1x8x1024xf32, #tpu.memory_space<vmem>> -> memref<8x1024xf32, #tpu.memory_space<vmem>>
    %dma_start3A_333 = arith.constant 0 : i32
    %dma_start3A_334 = tpu.memref_slice %arg4[%add3A_327, %dma_start3A_333] : memref<16384x1024xf32, #tpu.memory_space<hbm>> -> memref<8x1024xf32, #tpu.memory_space<hbm>>
    %dma_start3A_335 = arith.constant 0 : i32
    %dma_start3A_336 = tpu.memref_slice %arg4[%add3A_327, %dma_start3A_335] : memref<16384x1024xf32, #tpu.memory_space<hbm>> -> memref<8x1024xf32, #tpu.memory_space<hbm>>
    %dma_start3A_337 = arith.constant 0 : i32
    %dma_start3A_338 = arith.constant 0 : i32
    %dma_start3A_339 = tpu.memref_slice %arg6[%dma_start3A_328, %dma_start3A_337, %dma_start3A_338] : memref<8x8x1024xf32, #tpu.memory_space<vmem>> -> memref<1x8x1024xf32, #tpu.memory_space<vmem>>
    %dma_start3A_340 = tpu.memref_squeeze %dma_start3A_339 : memref<1x8x1024xf32, #tpu.memory_space<vmem>> -> memref<8x1024xf32, #tpu.memory_space<vmem>>
    tpu.enqueue_dma source(%dma_start3A_340 : memref<8x1024xf32, #tpu.memory_space<vmem>>) target(%dma_start3A_336 : memref<8x1024xf32, #tpu.memory_space<hbm>>) target_semaphore(%arg20 : memref<!tpu.dma_semaphore, #tpu.memory_space<semaphore_mem>>)
    %dma_wait3A_341 = arith.constant 6 : i32
    %dma_wait3A_342 = arith.constant 0 : i32
    %dma_wait3A_343 = arith.constant 0 : i32
    %dma_wait3A_344 = tpu.memref_slice %arg6[%dma_wait3A_341, %dma_wait3A_342, %dma_wait3A_343] : memref<8x8x1024xf32, #tpu.memory_space<vmem>> -> memref<1x8x1024xf32, #tpu.memory_space<vmem>>
    %dma_wait3A_345 = tpu.memref_squeeze %dma_wait3A_344 : memref<1x8x1024xf32, #tpu.memory_space<vmem>> -> memref<8x1024xf32, #tpu.memory_space<vmem>>
    %dma_wait3A_346 = arith.constant 0 : i32
    %dma_wait3A_347 = arith.constant 0 : i32
    %dma_wait3A_348 = tpu.memref_slice %arg2[%dma_wait3A_346, %dma_wait3A_347] : memref<32768x1024xf32, #tpu.memory_space<hbm>> -> memref<8x1024xf32, #tpu.memory_space<hbm>>
    %dma_wait3A_349 = arith.constant 0 : i32
    %dma_wait3A_350 = arith.constant 0 : i32
    %dma_wait3A_351 = tpu.memref_slice %arg6[%dma_wait3A_341, %dma_wait3A_349, %dma_wait3A_350] : memref<8x8x1024xf32, #tpu.memory_space<vmem>> -> memref<1x8x1024xf32, #tpu.memory_space<vmem>>
    %dma_wait3A_352 = tpu.memref_squeeze %dma_wait3A_351 : memref<1x8x1024xf32, #tpu.memory_space<vmem>> -> memref<8x1024xf32, #tpu.memory_space<vmem>>
    %dma_wait3A_353 = arith.constant 0 : i32
    %dma_wait3A_354 = arith.constant 0 : i32
    %dma_wait3A_355 = tpu.memref_slice %arg2[%dma_wait3A_353, %dma_wait3A_354] : memref<32768x1024xf32, #tpu.memory_space<hbm>> -> memref<8x1024xf32, #tpu.memory_space<hbm>>
    tpu.wait_dma2 semaphore(%arg13 : memref<!tpu.dma_semaphore, #tpu.memory_space<semaphore_mem>>) src(%dma_wait3A_355 : memref<8x1024xf32, #tpu.memory_space<hbm>>) dst(%dma_wait3A_352 : memref<8x1024xf32, #tpu.memory_space<vmem>>)
    %add3A_356 = arith.constant 496 : i32
    %add3A_357 = arith.addi %mul3A_2, %add3A_356 : i32
    %dma_start3A_358 = arith.constant 6 : i32
    %dma_start3A_359 = arith.constant 0 : i32
    %dma_start3A_360 = arith.constant 0 : i32
    %dma_start3A_361 = tpu.memref_slice %arg6[%dma_start3A_358, %dma_start3A_359, %dma_start3A_360] : memref<8x8x1024xf32, #tpu.memory_space<vmem>> -> memref<1x8x1024xf32, #tpu.memory_space<vmem>>
    %dma_start3A_362 = tpu.memref_squeeze %dma_start3A_361 : memref<1x8x1024xf32, #tpu.memory_space<vmem>> -> memref<8x1024xf32, #tpu.memory_space<vmem>>
    %dma_start3A_363 = arith.constant 0 : i32
    %dma_start3A_364 = tpu.memref_slice %arg4[%add3A_357, %dma_start3A_363] : memref<16384x1024xf32, #tpu.memory_space<hbm>> -> memref<8x1024xf32, #tpu.memory_space<hbm>>
    %dma_start3A_365 = arith.constant 0 : i32
    %dma_start3A_366 = tpu.memref_slice %arg4[%add3A_357, %dma_start3A_365] : memref<16384x1024xf32, #tpu.memory_space<hbm>> -> memref<8x1024xf32, #tpu.memory_space<hbm>>
    %dma_start3A_367 = arith.constant 0 : i32
    %dma_start3A_368 = arith.constant 0 : i32
    %dma_start3A_369 = tpu.memref_slice %arg6[%dma_start3A_358, %dma_start3A_367, %dma_start3A_368] : memref<8x8x1024xf32, #tpu.memory_space<vmem>> -> memref<1x8x1024xf32, #tpu.memory_space<vmem>>
    %dma_start3A_370 = tpu.memref_squeeze %dma_start3A_369 : memref<1x8x1024xf32, #tpu.memory_space<vmem>> -> memref<8x1024xf32, #tpu.memory_space<vmem>>
    tpu.enqueue_dma source(%dma_start3A_370 : memref<8x1024xf32, #tpu.memory_space<vmem>>) target(%dma_start3A_366 : memref<8x1024xf32, #tpu.memory_space<hbm>>) target_semaphore(%arg21 : memref<!tpu.dma_semaphore, #tpu.memory_space<semaphore_mem>>)
    %dma_wait3A_371 = arith.constant 7 : i32
    %dma_wait3A_372 = arith.constant 0 : i32
    %dma_wait3A_373 = arith.constant 0 : i32
    %dma_wait3A_374 = tpu.memref_slice %arg6[%dma_wait3A_371, %dma_wait3A_372, %dma_wait3A_373] : memref<8x8x1024xf32, #tpu.memory_space<vmem>> -> memref<1x8x1024xf32, #tpu.memory_space<vmem>>
    %dma_wait3A_375 = tpu.memref_squeeze %dma_wait3A_374 : memref<1x8x1024xf32, #tpu.memory_space<vmem>> -> memref<8x1024xf32, #tpu.memory_space<vmem>>
    %dma_wait3A_376 = arith.constant 0 : i32
    %dma_wait3A_377 = arith.constant 0 : i32
    %dma_wait3A_378 = tpu.memref_slice %arg2[%dma_wait3A_376, %dma_wait3A_377] : memref<32768x1024xf32, #tpu.memory_space<hbm>> -> memref<8x1024xf32, #tpu.memory_space<hbm>>
    %dma_wait3A_379 = arith.constant 0 : i32
    %dma_wait3A_380 = arith.constant 0 : i32
    %dma_wait3A_381 = tpu.memref_slice %arg6[%dma_wait3A_371, %dma_wait3A_379, %dma_wait3A_380] : memref<8x8x1024xf32, #tpu.memory_space<vmem>> -> memref<1x8x1024xf32, #tpu.memory_space<vmem>>
    %dma_wait3A_382 = tpu.memref_squeeze %dma_wait3A_381 : memref<1x8x1024xf32, #tpu.memory_space<vmem>> -> memref<8x1024xf32, #tpu.memory_space<vmem>>
    %dma_wait3A_383 = arith.constant 0 : i32
    %dma_wait3A_384 = arith.constant 0 : i32
    %dma_wait3A_385 = tpu.memref_slice %arg2[%dma_wait3A_383, %dma_wait3A_384] : memref<32768x1024xf32, #tpu.memory_space<hbm>> -> memref<8x1024xf32, #tpu.memory_space<hbm>>
    tpu.wait_dma2 semaphore(%arg14 : memref<!tpu.dma_semaphore, #tpu.memory_space<semaphore_mem>>) src(%dma_wait3A_385 : memref<8x1024xf32, #tpu.memory_space<hbm>>) dst(%dma_wait3A_382 : memref<8x1024xf32, #tpu.memory_space<vmem>>)
    %add3A_386 = arith.constant 504 : i32
    %add3A_387 = arith.addi %mul3A_2, %add3A_386 : i32
    %dma_start3A_388 = arith.constant 7 : i32
    %dma_start3A_389 = arith.constant 0 : i32
    %dma_start3A_390 = arith.constant 0 : i32
    %dma_start3A_391 = tpu.memref_slice %arg6[%dma_start3A_388, %dma_start3A_389, %dma_start3A_390] : memref<8x8x1024xf32, #tpu.memory_space<vmem>> -> memref<1x8x1024xf32, #tpu.memory_space<vmem>>
    %dma_start3A_392 = tpu.memref_squeeze %dma_start3A_391 : memref<1x8x1024xf32, #tpu.memory_space<vmem>> -> memref<8x1024xf32, #tpu.memory_space<vmem>>
    %dma_start3A_393 = arith.constant 0 : i32
    %dma_start3A_394 = tpu.memref_slice %arg4[%add3A_387, %dma_start3A_393] : memref<16384x1024xf32, #tpu.memory_space<hbm>> -> memref<8x1024xf32, #tpu.memory_space<hbm>>
    %dma_start3A_395 = arith.constant 0 : i32
    %dma_start3A_396 = tpu.memref_slice %arg4[%add3A_387, %dma_start3A_395] : memref<16384x1024xf32, #tpu.memory_space<hbm>> -> memref<8x1024xf32, #tpu.memory_space<hbm>>
    %dma_start3A_397 = arith.constant 0 : i32
    %dma_start3A_398 = arith.constant 0 : i32
    %dma_start3A_399 = tpu.memref_slice %arg6[%dma_start3A_388, %dma_start3A_397, %dma_start3A_398] : memref<8x8x1024xf32, #tpu.memory_space<vmem>> -> memref<1x8x1024xf32, #tpu.memory_space<vmem>>
    %dma_start3A_400 = tpu.memref_squeeze %dma_start3A_399 : memref<1x8x1024xf32, #tpu.memory_space<vmem>> -> memref<8x1024xf32, #tpu.memory_space<vmem>>
    tpu.enqueue_dma source(%dma_start3A_400 : memref<8x1024xf32, #tpu.memory_space<vmem>>) target(%dma_start3A_396 : memref<8x1024xf32, #tpu.memory_space<hbm>>) target_semaphore(%arg22 : memref<!tpu.dma_semaphore, #tpu.memory_space<semaphore_mem>>)
    %dma_wait3A_401 = arith.constant 0 : i32
    %dma_wait3A_402 = arith.constant 0 : i32
    %dma_wait3A_403 = arith.constant 0 : i32
    %dma_wait3A_404 = tpu.memref_slice %arg6[%dma_wait3A_401, %dma_wait3A_402, %dma_wait3A_403] : memref<8x8x1024xf32, #tpu.memory_space<vmem>> -> memref<1x8x1024xf32, #tpu.memory_space<vmem>>
    %dma_wait3A_405 = tpu.memref_squeeze %dma_wait3A_404 : memref<1x8x1024xf32, #tpu.memory_space<vmem>> -> memref<8x1024xf32, #tpu.memory_space<vmem>>
    %dma_wait3A_406 = arith.constant 0 : i32
    %dma_wait3A_407 = arith.constant 0 : i32
    %dma_wait3A_408 = tpu.memref_slice %arg2[%dma_wait3A_406, %dma_wait3A_407] : memref<32768x1024xf32, #tpu.memory_space<hbm>> -> memref<8x1024xf32, #tpu.memory_space<hbm>>
    %dma_wait3A_409 = arith.constant 0 : i32
    %dma_wait3A_410 = arith.constant 0 : i32
    %dma_wait3A_411 = tpu.memref_slice %arg6[%dma_wait3A_401, %dma_wait3A_409, %dma_wait3A_410] : memref<8x8x1024xf32, #tpu.memory_space<vmem>> -> memref<1x8x1024xf32, #tpu.memory_space<vmem>>
    %dma_wait3A_412 = tpu.memref_squeeze %dma_wait3A_411 : memref<1x8x1024xf32, #tpu.memory_space<vmem>> -> memref<8x1024xf32, #tpu.memory_space<vmem>>
    %dma_wait3A_413 = arith.constant 0 : i32
    %dma_wait3A_414 = arith.constant 0 : i32
    %dma_wait3A_415 = tpu.memref_slice %arg2[%dma_wait3A_413, %dma_wait3A_414] : memref<32768x1024xf32, #tpu.memory_space<hbm>> -> memref<8x1024xf32, #tpu.memory_space<hbm>>
    tpu.wait_dma2 semaphore(%arg15 : memref<!tpu.dma_semaphore, #tpu.memory_space<semaphore_mem>>) src(%dma_wait3A_415 : memref<8x1024xf32, #tpu.memory_space<hbm>>) dst(%dma_wait3A_412 : memref<8x1024xf32, #tpu.memory_space<vmem>>)
    %dma_wait3A_416 = arith.constant 1 : i32
    %dma_wait3A_417 = arith.constant 0 : i32
    %dma_wait3A_418 = arith.constant 0 : i32
    %dma_wait3A_419 = tpu.memref_slice %arg6[%dma_wait3A_416, %dma_wait3A_417, %dma_wait3A_418] : memref<8x8x1024xf32, #tpu.memory_space<vmem>> -> memref<1x8x1024xf32, #tpu.memory_space<vmem>>
    %dma_wait3A_420 = tpu.memref_squeeze %dma_wait3A_419 : memref<1x8x1024xf32, #tpu.memory_space<vmem>> -> memref<8x1024xf32, #tpu.memory_space<vmem>>
    %dma_wait3A_421 = arith.constant 0 : i32
    %dma_wait3A_422 = arith.constant 0 : i32
    %dma_wait3A_423 = tpu.memref_slice %arg2[%dma_wait3A_421, %dma_wait3A_422] : memref<32768x1024xf32, #tpu.memory_space<hbm>> -> memref<8x1024xf32, #tpu.memory_space<hbm>>
    %dma_wait3A_424 = arith.constant 0 : i32
    %dma_wait3A_425 = arith.constant 0 : i32
    %dma_wait3A_426 = tpu.memref_slice %arg6[%dma_wait3A_416, %dma_wait3A_424, %dma_wait3A_425] : memref<8x8x1024xf32, #tpu.memory_space<vmem>> -> memref<1x8x1024xf32, #tpu.memory_space<vmem>>
    %dma_wait3A_427 = tpu.memref_squeeze %dma_wait3A_426 : memref<1x8x1024xf32, #tpu.memory_space<vmem>> -> memref<8x1024xf32, #tpu.memory_space<vmem>>
    %dma_wait3A_428 = arith.constant 0 : i32
    %dma_wait3A_429 = arith.constant 0 : i32
    %dma_wait3A_430 = tpu.memref_slice %arg2[%dma_wait3A_428, %dma_wait3A_429] : memref<32768x1024xf32, #tpu.memory_space<hbm>> -> memref<8x1024xf32, #tpu.memory_space<hbm>>
    tpu.wait_dma2 semaphore(%arg16 : memref<!tpu.dma_semaphore, #tpu.memory_space<semaphore_mem>>) src(%dma_wait3A_430 : memref<8x1024xf32, #tpu.memory_space<hbm>>) dst(%dma_wait3A_427 : memref<8x1024xf32, #tpu.memory_space<vmem>>)
    %dma_wait3A_431 = arith.constant 2 : i32
    %dma_wait3A_432 = arith.constant 0 : i32
    %dma_wait3A_433 = arith.constant 0 : i32
    %dma_wait3A_434 = tpu.memref_slice %arg6[%dma_wait3A_431, %dma_wait3A_432, %dma_wait3A_433] : memref<8x8x1024xf32, #tpu.memory_space<vmem>> -> memref<1x8x1024xf32, #tpu.memory_space<vmem>>
    %dma_wait3A_435 = tpu.memref_squeeze %dma_wait3A_434 : memref<1x8x1024xf32, #tpu.memory_space<vmem>> -> memref<8x1024xf32, #tpu.memory_space<vmem>>
    %dma_wait3A_436 = arith.constant 0 : i32
    %dma_wait3A_437 = arith.constant 0 : i32
    %dma_wait3A_438 = tpu.memref_slice %arg2[%dma_wait3A_436, %dma_wait3A_437] : memref<32768x1024xf32, #tpu.memory_space<hbm>> -> memref<8x1024xf32, #tpu.memory_space<hbm>>
    %dma_wait3A_439 = arith.constant 0 : i32
    %dma_wait3A_440 = arith.constant 0 : i32
    %dma_wait3A_441 = tpu.memref_slice %arg6[%dma_wait3A_431, %dma_wait3A_439, %dma_wait3A_440] : memref<8x8x1024xf32, #tpu.memory_space<vmem>> -> memref<1x8x1024xf32, #tpu.memory_space<vmem>>
    %dma_wait3A_442 = tpu.memref_squeeze %dma_wait3A_441 : memref<1x8x1024xf32, #tpu.memory_space<vmem>> -> memref<8x1024xf32, #tpu.memory_space<vmem>>
    %dma_wait3A_443 = arith.constant 0 : i32
    %dma_wait3A_444 = arith.constant 0 : i32
    %dma_wait3A_445 = tpu.memref_slice %arg2[%dma_wait3A_443, %dma_wait3A_444] : memref<32768x1024xf32, #tpu.memory_space<hbm>> -> memref<8x1024xf32, #tpu.memory_space<hbm>>
    tpu.wait_dma2 semaphore(%arg17 : memref<!tpu.dma_semaphore, #tpu.memory_space<semaphore_mem>>) src(%dma_wait3A_445 : memref<8x1024xf32, #tpu.memory_space<hbm>>) dst(%dma_wait3A_442 : memref<8x1024xf32, #tpu.memory_space<vmem>>)
    %dma_wait3A_446 = arith.constant 3 : i32
    %dma_wait3A_447 = arith.constant 0 : i32
    %dma_wait3A_448 = arith.constant 0 : i32
    %dma_wait3A_449 = tpu.memref_slice %arg6[%dma_wait3A_446, %dma_wait3A_447, %dma_wait3A_448] : memref<8x8x1024xf32, #tpu.memory_space<vmem>> -> memref<1x8x1024xf32, #tpu.memory_space<vmem>>
    %dma_wait3A_450 = tpu.memref_squeeze %dma_wait3A_449 : memref<1x8x1024xf32, #tpu.memory_space<vmem>> -> memref<8x1024xf32, #tpu.memory_space<vmem>>
    %dma_wait3A_451 = arith.constant 0 : i32
    %dma_wait3A_452 = arith.constant 0 : i32
    %dma_wait3A_453 = tpu.memref_slice %arg2[%dma_wait3A_451, %dma_wait3A_452] : memref<32768x1024xf32, #tpu.memory_space<hbm>> -> memref<8x1024xf32, #tpu.memory_space<hbm>>
    %dma_wait3A_454 = arith.constant 0 : i32
    %dma_wait3A_455 = arith.constant 0 : i32
    %dma_wait3A_456 = tpu.memref_slice %arg6[%dma_wait3A_446, %dma_wait3A_454, %dma_wait3A_455] : memref<8x8x1024xf32, #tpu.memory_space<vmem>> -> memref<1x8x1024xf32, #tpu.memory_space<vmem>>
    %dma_wait3A_457 = tpu.memref_squeeze %dma_wait3A_456 : memref<1x8x1024xf32, #tpu.memory_space<vmem>> -> memref<8x1024xf32, #tpu.memory_space<vmem>>
    %dma_wait3A_458 = arith.constant 0 : i32
    %dma_wait3A_459 = arith.constant 0 : i32
    %dma_wait3A_460 = tpu.memref_slice %arg2[%dma_wait3A_458, %dma_wait3A_459] : memref<32768x1024xf32, #tpu.memory_space<hbm>> -> memref<8x1024xf32, #tpu.memory_space<hbm>>
    tpu.wait_dma2 semaphore(%arg18 : memref<!tpu.dma_semaphore, #tpu.memory_space<semaphore_mem>>) src(%dma_wait3A_460 : memref<8x1024xf32, #tpu.memory_space<hbm>>) dst(%dma_wait3A_457 : memref<8x1024xf32, #tpu.memory_space<vmem>>)
    %dma_wait3A_461 = arith.constant 4 : i32
    %dma_wait3A_462 = arith.constant 0 : i32
    %dma_wait3A_463 = arith.constant 0 : i32
    %dma_wait3A_464 = tpu.memref_slice %arg6[%dma_wait3A_461, %dma_wait3A_462, %dma_wait3A_463] : memref<8x8x1024xf32, #tpu.memory_space<vmem>> -> memref<1x8x1024xf32, #tpu.memory_space<vmem>>
    %dma_wait3A_465 = tpu.memref_squeeze %dma_wait3A_464 : memref<1x8x1024xf32, #tpu.memory_space<vmem>> -> memref<8x1024xf32, #tpu.memory_space<vmem>>
    %dma_wait3A_466 = arith.constant 0 : i32
    %dma_wait3A_467 = arith.constant 0 : i32
    %dma_wait3A_468 = tpu.memref_slice %arg2[%dma_wait3A_466, %dma_wait3A_467] : memref<32768x1024xf32, #tpu.memory_space<hbm>> -> memref<8x1024xf32, #tpu.memory_space<hbm>>
    %dma_wait3A_469 = arith.constant 0 : i32
    %dma_wait3A_470 = arith.constant 0 : i32
    %dma_wait3A_471 = tpu.memref_slice %arg6[%dma_wait3A_461, %dma_wait3A_469, %dma_wait3A_470] : memref<8x8x1024xf32, #tpu.memory_space<vmem>> -> memref<1x8x1024xf32, #tpu.memory_space<vmem>>
    %dma_wait3A_472 = tpu.memref_squeeze %dma_wait3A_471 : memref<1x8x1024xf32, #tpu.memory_space<vmem>> -> memref<8x1024xf32, #tpu.memory_space<vmem>>
    %dma_wait3A_473 = arith.constant 0 : i32
    %dma_wait3A_474 = arith.constant 0 : i32
    %dma_wait3A_475 = tpu.memref_slice %arg2[%dma_wait3A_473, %dma_wait3A_474] : memref<32768x1024xf32, #tpu.memory_space<hbm>> -> memref<8x1024xf32, #tpu.memory_space<hbm>>
    tpu.wait_dma2 semaphore(%arg19 : memref<!tpu.dma_semaphore, #tpu.memory_space<semaphore_mem>>) src(%dma_wait3A_475 : memref<8x1024xf32, #tpu.memory_space<hbm>>) dst(%dma_wait3A_472 : memref<8x1024xf32, #tpu.memory_space<vmem>>)
    %dma_wait3A_476 = arith.constant 5 : i32
    %dma_wait3A_477 = arith.constant 0 : i32
    %dma_wait3A_478 = arith.constant 0 : i32
    %dma_wait3A_479 = tpu.memref_slice %arg6[%dma_wait3A_476, %dma_wait3A_477, %dma_wait3A_478] : memref<8x8x1024xf32, #tpu.memory_space<vmem>> -> memref<1x8x1024xf32, #tpu.memory_space<vmem>>
    %dma_wait3A_480 = tpu.memref_squeeze %dma_wait3A_479 : memref<1x8x1024xf32, #tpu.memory_space<vmem>> -> memref<8x1024xf32, #tpu.memory_space<vmem>>
    %dma_wait3A_481 = arith.constant 0 : i32
    %dma_wait3A_482 = arith.constant 0 : i32
    %dma_wait3A_483 = tpu.memref_slice %arg2[%dma_wait3A_481, %dma_wait3A_482] : memref<32768x1024xf32, #tpu.memory_space<hbm>> -> memref<8x1024xf32, #tpu.memory_space<hbm>>
    %dma_wait3A_484 = arith.constant 0 : i32
    %dma_wait3A_485 = arith.constant 0 : i32
    %dma_wait3A_486 = tpu.memref_slice %arg6[%dma_wait3A_476, %dma_wait3A_484, %dma_wait3A_485] : memref<8x8x1024xf32, #tpu.memory_space<vmem>> -> memref<1x8x1024xf32, #tpu.memory_space<vmem>>
    %dma_wait3A_487 = tpu.memref_squeeze %dma_wait3A_486 : memref<1x8x1024xf32, #tpu.memory_space<vmem>> -> memref<8x1024xf32, #tpu.memory_space<vmem>>
    %dma_wait3A_488 = arith.constant 0 : i32
    %dma_wait3A_489 = arith.constant 0 : i32
    %dma_wait3A_490 = tpu.memref_slice %arg2[%dma_wait3A_488, %dma_wait3A_489] : memref<32768x1024xf32, #tpu.memory_space<hbm>> -> memref<8x1024xf32, #tpu.memory_space<hbm>>
    tpu.wait_dma2 semaphore(%arg20 : memref<!tpu.dma_semaphore, #tpu.memory_space<semaphore_mem>>) src(%dma_wait3A_490 : memref<8x1024xf32, #tpu.memory_space<hbm>>) dst(%dma_wait3A_487 : memref<8x1024xf32, #tpu.memory_space<vmem>>)
    %dma_wait3A_491 = arith.constant 6 : i32
    %dma_wait3A_492 = arith.constant 0 : i32
    %dma_wait3A_493 = arith.constant 0 : i32
    %dma_wait3A_494 = tpu.memref_slice %arg6[%dma_wait3A_491, %dma_wait3A_492, %dma_wait3A_493] : memref<8x8x1024xf32, #tpu.memory_space<vmem>> -> memref<1x8x1024xf32, #tpu.memory_space<vmem>>
    %dma_wait3A_495 = tpu.memref_squeeze %dma_wait3A_494 : memref<1x8x1024xf32, #tpu.memory_space<vmem>> -> memref<8x1024xf32, #tpu.memory_space<vmem>>
    %dma_wait3A_496 = arith.constant 0 : i32
    %dma_wait3A_497 = arith.constant 0 : i32
    %dma_wait3A_498 = tpu.memref_slice %arg2[%dma_wait3A_496, %dma_wait3A_497] : memref<32768x1024xf32, #tpu.memory_space<hbm>> -> memref<8x1024xf32, #tpu.memory_space<hbm>>
    %dma_wait3A_499 = arith.constant 0 : i32
    %dma_wait3A_500 = arith.constant 0 : i32
    %dma_wait3A_501 = tpu.memref_slice %arg6[%dma_wait3A_491, %dma_wait3A_499, %dma_wait3A_500] : memref<8x8x1024xf32, #tpu.memory_space<vmem>> -> memref<1x8x1024xf32, #tpu.memory_space<vmem>>
    %dma_wait3A_502 = tpu.memref_squeeze %dma_wait3A_501 : memref<1x8x1024xf32, #tpu.memory_space<vmem>> -> memref<8x1024xf32, #tpu.memory_space<vmem>>
    %dma_wait3A_503 = arith.constant 0 : i32
    %dma_wait3A_504 = arith.constant 0 : i32
    %dma_wait3A_505 = tpu.memref_slice %arg2[%dma_wait3A_503, %dma_wait3A_504] : memref<32768x1024xf32, #tpu.memory_space<hbm>> -> memref<8x1024xf32, #tpu.memory_space<hbm>>
    tpu.wait_dma2 semaphore(%arg21 : memref<!tpu.dma_semaphore, #tpu.memory_space<semaphore_mem>>) src(%dma_wait3A_505 : memref<8x1024xf32, #tpu.memory_space<hbm>>) dst(%dma_wait3A_502 : memref<8x1024xf32, #tpu.memory_space<vmem>>)
    %dma_wait3A_506 = arith.constant 7 : i32
    %dma_wait3A_507 = arith.constant 0 : i32
    %dma_wait3A_508 = arith.constant 0 : i32
    %dma_wait3A_509 = tpu.memref_slice %arg6[%dma_wait3A_506, %dma_wait3A_507, %dma_wait3A_508] : memref<8x8x1024xf32, #tpu.memory_space<vmem>> -> memref<1x8x1024xf32, #tpu.memory_space<vmem>>
    %dma_wait3A_510 = tpu.memref_squeeze %dma_wait3A_509 : memref<1x8x1024xf32, #tpu.memory_space<vmem>> -> memref<8x1024xf32, #tpu.memory_space<vmem>>
    %dma_wait3A_511 = arith.constant 0 : i32
    %dma_wait3A_512 = arith.constant 0 : i32
    %dma_wait3A_513 = tpu.memref_slice %arg2[%dma_wait3A_511, %dma_wait3A_512] : memref<32768x1024xf32, #tpu.memory_space<hbm>> -> memref<8x1024xf32, #tpu.memory_space<hbm>>
    %dma_wait3A_514 = arith.constant 0 : i32
    %dma_wait3A_515 = arith.constant 0 : i32
    %dma_wait3A_516 = tpu.memref_slice %arg6[%dma_wait3A_506, %dma_wait3A_514, %dma_wait3A_515] : memref<8x8x1024xf32, #tpu.memory_space<vmem>> -> memref<1x8x1024xf32, #tpu.memory_space<vmem>>
    %dma_wait3A_517 = tpu.memref_squeeze %dma_wait3A_516 : memref<1x8x1024xf32, #tpu.memory_space<vmem>> -> memref<8x1024xf32, #tpu.memory_space<vmem>>
    %dma_wait3A_518 = arith.constant 0 : i32
    %dma_wait3A_519 = arith.constant 0 : i32
    %dma_wait3A_520 = tpu.memref_slice %arg2[%dma_wait3A_518, %dma_wait3A_519] : memref<32768x1024xf32, #tpu.memory_space<hbm>> -> memref<8x1024xf32, #tpu.memory_space<hbm>>
    tpu.wait_dma2 semaphore(%arg22 : memref<!tpu.dma_semaphore, #tpu.memory_space<semaphore_mem>>) src(%dma_wait3A_520 : memref<8x1024xf32, #tpu.memory_space<hbm>>) dst(%dma_wait3A_517 : memref<8x1024xf32, #tpu.memory_space<vmem>>)
    return
  }
}

</mosaic_0001>

<sc_bundles>
// kernel: kernel.3.cloned.1.call-start
scs
__scs_entry_jumppad:
0x0: {  	(pc) =	sbr.rel $0x88, $3  }
0x1: {  	(tag) =	ssettag $0x0;
	lr =	simm.s32 $0x1  }
0x2: {  	[smem:$0x3F9E] =	sst lr;
	_ =	strace $0xD0000000  }
0x3: {  	_ = 	snop  }
0x4: {  	_ = 	snop  }
0x5: {  	_ = 	snop  }
0x6: {  	_ = 	snop  }
0x7: {  	_ = 	snop  }
__scs_overlays_trampoline_lowered:
0x8: {  	[smem:$0x3FAD] =	sst s0  }
0x9: {  	[smem:$0x3FAE] =	sst s1  }
0xa: {  	[smem:$0x3FAF] =	sst s2  }
0xb: {  	[smem:$0x3FB0] =	sst s3  }
0xc: {  	[smem:$0x3FB1] =	sst s4  }
0xd: {  	[smem:$0x3FB2] =	sst s5  }
0xe: {  	[smem:$0x3FB3] =	sst s6  }
0xf: {  	[smem:$0x3FB4] =	sst s7  }
0x10: {  	[smem:$0x3FB5] =	sst s8  }
0x11: {  	[smem:$0x3FB6] =	sst s9;
	s0 =	simm.s32 @!p0 $0x0  }
0x12: {  	s1 =	sld [smem:$0x3F9C];
	s0 =	simm.s32 @p0 $0x1  }
0x13: {  	[smem:$0x3FB7] =	sst s0;
	s0 =	simm.s32 @!p1 $0x0  }
0x14: {  	s2 =	sld [smem:$0x3F9B];
	s0 =	simm.s32 @p1 $0x1  }
0x15: {  	[smem:$0x3FB8] =	sst s0;
	s0 =	simm.s32 @!p2 $0x0  }
0x16: {  	s3 =	sld [smem:$0x3FDB];
	s0 =	simm.s32 @p2 $0x1  }
0x17: {  	s4 =	simm.s32 $0x1BF5;
	[smem:$0x3FBA] =	sst s0  }
0x18: {  	s0 =	sld [smem:$0x3F9D];
	_ =	swait.ge [sflag:s4], $0x0  }
0x19: {  	s7 =	sld [smem:$0x3F9E]  }
0x1a: {  	s8 =	sadd.s32 $0xFFFFE003, lr  }
0x1b: {  	s9 =	sadd.s32 $0xFFFFFEF7, lr;
	s5 =	simm.s32 $0xFFFFFFFF;
	p2 =	slt.u32 s8, $0xFFFFF086  }
0x1c: {  	p1 =	slt.u32 s9, $0xF7A;
	s5 =	simm.s32 @!p2 $0x0  }
0x1d: {  	s5 =	simm.s32 @p1 $0x1;
	p0 =	seq.s32 s7, s2  }
0x1e: {  	s7 =	smul.u32 @!p0 $0xF7A, s2;
	p2 =	seq.s32 @!p0 s5, $0x0  }
0x1f: {  	s9 =	smul.u32 $0xF7A, s1;
	s8 =	simm.s32 @!p0 $0x1BF5;
	p2 =	por !p2, p0  }
0x20: {  	[sflag:s8] =	ssyncset.s32 @!p0 $0xFFFFF086;
	s6 =	sadd.s32 @!p0 s3, s7;
	s7 =	simm.s32 @!p0 $0x108  }
0x21: {  	s3 =	sadd.s32 s3, s9;
	s6 =	sadd.s32 @!p0 $0x88, s6;
	s7 =	simm.s32 @p2 $0x1082  }
0x22: {  	[simem:s7], [sflag:s8] =	dma.local @!p0 [hbm:s6], $0xF7A  }
0x23: {  	s9 =	sor.u32 $0xD0000000, s2;
	s6 =	simm.s32 $0x108;
	_ =	swait.ge @!p0 [sflag:s8], $0x0  }
0x24: {  	s3 =	sadd.s32 $0x88, s3;
	s6 =	simm.s32 @!p1 $0x1082;
	[sflag:s4] =	ssyncset.s32 $0xFFFFF086  }
0x25: {  	[simem:s6], [sflag:s4] =	dma.local [hbm:s3], $0xF7A  }
0x26: {  	[smem:$0x3F9E] =	sst s1;
	(tag) =	ssettag s2;
	_ =	strace s9  }
0x27: {  	s1 =	sld [smem:$0x3FAE]  }
0x28: {  	s2 =	sld [smem:$0x3FAF]  }
0x29: {  	s4 =	sld [smem:$0x3FB1]  }
0x2a: {  	p0 =	seq.s32 s5, $0x0;
	s5 =	sld [smem:$0x3FB2]  }
0x2b: {  	s6 =	sld [smem:$0x3FB3]  }
0x2c: {  	s7 =	sld [smem:$0x3FB4]  }
0x2d: {  	s3 =	simm.s32 $0x108;
	s8 =	sld [smem:$0x3FB5]  }
0x2e: {  	s3 =	simm.s32 @!p0 $0x1082;
	s9 =	sld [smem:$0x3FB6]  }
0x2f: {  	lr =	sadd.s32 s0, s3;
	s0 =	sld [smem:$0x3FAD]  }
0x30: {  	s3 =	sld [smem:$0x3FB0]  }
0x31: {  	[smem:$0x3FB9] =	sst s10  }
0x32: {  	s10 =	sld [smem:$0x3FB7];
	_ =	sdelay $0x3  }
0x33: {  	p0 =	seq.s32 s10, $0x1;
	s10 =	sld [smem:$0x3FB9];
	_ =	sdelay $0x3  }
0x34: {  	[smem:$0x3FB9] =	sst s10  }
0x35: {  	s10 =	sld [smem:$0x3FB8];
	_ =	sdelay $0x3  }
0x36: {  	p1 =	seq.s32 s10, $0x1;
	s10 =	sld [smem:$0x3FB9];
	_ =	sdelay $0x3  }
0x37: {  	[smem:$0x3FB9] =	sst s10  }
0x38: {  	s10 =	sld [smem:$0x3FBA]  }
0x39: {  	_ = 	snop;
	(pc) =	sbr.ind lr, $3  }
0x3a: {  	_ = 	snop  }
0x3b: {  	_ = 	snop  }
0x3c: {  	p2 =	seq.s32 s10, $0x1;
	s10 =	sld [smem:$0x3FB9]  }
0x3d: {  	_ =	shalt  }
0x3e: {  	_ =	shalt  }
0x3f: {  	_ =	shalt  }
0x40: {  	_ =	shalt  }
0x41: {  	_ =	shalt  }
0x42: {  	_ =	shalt  }
0x43: {  	_ =	shalt  }
0x44: {  	_ =	shalt  }
0x45: {  	_ =	shalt  }
0x46: {  	_ =	shalt  }
0x47: {  	_ =	shalt  }
0x48: {  	_ =	shalt  }
0x49: {  	_ =	shalt  }
0x4a: {  	_ =	shalt  }
0x4b: {  	_ =	shalt  }
0x4c: {  	_ =	shalt  }
0x4d: {  	_ =	shalt  }
0x4e: {  	_ =	shalt  }
0x4f: {  	_ =	shalt  }
0x50: {  	_ =	shalt  }
0x51: {  	_ =	shalt  }
0x52: {  	_ =	shalt  }
0x53: {  	_ =	shalt  }
0x54: {  	_ =	shalt  }
0x55: {  	_ =	shalt  }
0x56: {  	_ =	shalt  }
0x57: {  	_ =	shalt  }
0x58: {  	_ =	shalt  }
0x59: {  	_ =	shalt  }
0x5a: {  	_ =	shalt  }
0x5b: {  	_ =	shalt  }
0x5c: {  	_ =	shalt  }
0x5d: {  	_ =	shalt  }
0x5e: {  	_ =	shalt  }
0x5f: {  	_ =	shalt  }
0x60: {  	_ =	shalt  }
0x61: {  	_ =	shalt  }
0x62: {  	_ =	shalt  }
0x63: {  	_ =	shalt  }
0x64: {  	_ =	shalt  }
0x65: {  	_ =	shalt  }
0x66: {  	_ =	shalt  }
0x67: {  	_ =	shalt  }
0x68: {  	_ =	shalt  }
0x69: {  	_ =	shalt  }
0x6a: {  	_ =	shalt  }
0x6b: {  	_ =	shalt  }
0x6c: {  	_ =	shalt  }
0x6d: {  	_ =	shalt  }
0x6e: {  	_ =	shalt  }
0x6f: {  	_ =	shalt  }
0x70: {  	_ =	shalt  }
0x71: {  	_ =	shalt  }
0x72: {  	_ =	shalt  }
0x73: {  	_ =	shalt  }
0x74: {  	_ =	shalt  }
0x75: {  	_ =	shalt  }
0x76: {  	_ =	shalt  }
0x77: {  	_ =	shalt  }
0x78: {  	_ =	shalt  }
0x79: {  	_ =	shalt  }
0x7a: {  	_ =	shalt  }
0x7b: {  	_ =	shalt  }
0x7c: {  	_ =	shalt  }
0x7d: {  	_ =	shalt  }
0x7e: {  	_ =	shalt  }
0x7f: {  	_ =	shalt  }
0x80: {  	_ =	shalt  }
0x81: {  	_ =	shalt  }
0x82: {  	_ =	shalt  }
0x83: {  	_ =	shalt  }
0x84: {  	_ =	shalt  }
0x85: {  	_ =	shalt  }
0x86: {  	_ =	shalt  }
0x87: {  	_ =	shalt  }
.Lfunc_end0:
.L_simem_size_0:
called_computation_lowered:
.L_overlay_start_0:
0x88: {  	s2 =	sld [smem:$0x3FD9]  }
0x89: {  	s3 =	sld [smem:$0x3FFE];
	_ =	sdelay $0x1  }
0x8a: {  	s1 =	srdreg.scid  }
0x8b: {  	s0 =	sand.u32 $0x1, s1  }
0x8c: {  	s14 =	sshll.u32 s0, $0xA;
	s2 =	sadd.s32 s3, s2  }
0x8d: {  	s2 =	sadd.s32 s2, s14  }
0x8e: {  	[smem:$0x3FC5] =	sst s2  }
0x8f: {  	_ = 	snop  }
0x90: {  	s2 =	sld [smem:$0x3FD0];
	_ =	sdelay $0x2  }
0x91: {  	s4 =	simm.s32 $0xA;
	s5 =	simm.s32 $0x10;
	s15 =	sld [smem:$0x3FC9]  }
0x92: {  	[smem:s5], [sflag:s4] =	dma.local [hbm:s2], $0x1  }
0x93: {  	_ =	swait.eq [sflag:s4], $0x1  }
0x94: {  	[sflag:s4] =	ssyncset.done $0x0  }
0x95: {  	[sflag:s4] =	ssyncadd.s32 $0xFFFFFFFF  }
0x96: {  	s16 =	sld [smem:$0x10];
	(tm) =	ssettm $0x1  }
0x97: {  	s17 =	sld [smem:$0x3FFB];
	_ =	sdelay $0x3  }
0x98: {  	_ =	strace s17  }
0x99: {  	s4 =	sld [smem:$0x3FFC];
	_ =	sdelay $0x3  }
0x9a: {  	_ =	strace s4  }
0x9b: {  	s4 =	sld [smem:$0x3FFD];
	_ =	sdelay $0x3  }
0x9c: {  	_ =	strace s4  }
0x9d: {  	_ =	strace $0x8FFFFFFF  }
0x9e: {  	s18 =	sld [smem:$0x3FDB];
	_ =	sdelay $0x1  }
0x9f: {  	s19 =	simm.s32 $_scs_section_size  }
0xa0: {  	s6 =	simm.s32 $_size__tile_overlayer_lowered;
	s7 =	simm.s32 $_tile_overlayer_lowered  }
0xa1: {  	s22 =	simm.s32 $0x1BFF;
	s21 =	sshll.u32 s7, $0x1;
	s4 =	sadd.s32 s19, s18  }
0xa2: {  	s8 =	simm.s32 $0x0;
	s20 =	sshll.u32 s6, $0x1;
	s6 =	sadd.s32 s21, s4  }
0xa3: {  	[timem:s8], [sflag:s22] =	dma.local [hbm:s6], s20  }
0xa4: {  	_ =	swait.ge [sflag:s22], s20  }
0xa5: {  	s5 =	ssub.s32 $0x0, s20;
	[sflag:s22] =	ssyncset.done $0x0  }
0xa6: {  	[sflag:s22] =	ssyncadd.s32 s5;
	_ =	sdelay $0x1  }
0xa7: {  	s23 =	simm.s32 $0x1B8B  }
0xa8: {  	_ =	swait.ge [sflag:s23], $0x1  }
0xa9: {  	[sflag:s23] =	ssyncset.done $0x0  }
0xaa: {  	s25 =	simm.s32 $0x1B8E;
	s24 =	sld [smem:$0x3FFE];
	[sflag:s23] =	ssyncadd.s32 $0xFFFFFFFF  }
0xab: {  	s26 =	simm.s32 $execute0_lowered;
	[smem:$0x3FD2] =	sst s25  }
0xac: {  	s6 =	sshll.u32 s26, $0x1;
	_ =	strace $0x80000046;
	[dreg:$0x1] =	wrdreg $0xFFFFFFFF  }
0xad: {  	s28 =	simm.s32 $_size_execute0_lowered;
	s4 =	sadd.s32 s4, s6;
	[dreg:$0x0] =	wrdreg $0x0  }
0xae: {  	s6 =	sshll.u32 s28, $0x1;
	[dreg:$0x2] =	wrdreg s4  }
0xaf: {  	[dreg:$0x3] =	wrdreg s6  }
0xb0: {  	[dreg:$0x4] =	wrdreg $0xC0  }
0xb1: {  	_ =	task [dreg:s8], $0x5FFFF  }
0xb2: {  	[dreg:$0x1] =	wrdreg $0xFFFFFFFF  }
0xb3: {  	[dreg:$0x0] =	wrdreg $0x60  }
0xb4: {  	[dreg:$0x2] =	wrdreg s15  }
0xb5: {  	[dreg:$0x3] =	wrdreg s24  }
0xb6: {  	[dreg:$0x4] =	wrdreg s16  }
0xb7: {  	[dreg:$0x5] =	wrdreg $0x9  }
0xb8: {  	_ =	task.clear_ibuf [dreg:s8], $0x6FFFF;
	_ =	strace $0x90000046  }
0xb9: {  	s29 =	simm.s32 $0x9;
	_ =	strace $0x80000048  }
0xba: {  	_ =	swait.ge [sflag:s29], $0x1  }
0xbb: {  	[sflag:s29] =	ssyncadd.s32 $0xFFFFFFFF  }
0xbc: {  	_ =	strace $0x90000048  }
0xbd: {  	_ =	sfence  }
0xbe: {  	s30 =	sld [smem:$0x0];
	_ =	sdelay $0x2  }
0xbf: {  	s31 =	sshll.u32 s1, $0xD;
	s1 =	sshrl.u32 s1, $0x2  }
0xc0: {  	s3 =	sand.u32 $0x4000, s31;
	s1 =	sadd.s32 s1, s30  }
0xc1: {  	s0 =	sor.u32 s3, s0;
	s1 =	sshll.u32 s1, $0x11  }
0xc2: {  	s0 =	sor.u32 s1, s0  }
0xc3: {  	s0 =	sadd.s32 $0x8F2B, s0  }
0xc4: {  	[sflag:s0] =	ssyncadd.remote.s32 $0x1  }
0xc5: {  	_ =	sfence.sel $0xFFFF  }
0xc6: {  	[dreg:$0x0] =	wrdreg $0xFFFFFFFF;
	(pc) =	sbr.abs _section_cstart, $3  }
0xc7: {  	[dreg:$0x1] =	wrdreg $0xFFFFFFFF  }
0xc8: {  	_ =	task.clear_ibuf [dreg:s8], $0x2FFFF;
	_ =	strace $0x9FFFFFFF  }
0xc9: {  	(tm) =	ssettm $0x7FFFFFFF  }
tec
execute0_lowered:
.L_overlay_start_1:
0x0: {  	(tag) =	ssettag $0x1  }
0x1: {  	s1 =	rddreg [dreg:$0x0]  }
0x2: {  	s0 =	rddreg [dreg:$0x1]  }
0x3: {  	s11 =	rddreg [dreg:$0x2];
	s3 =	simm.s32 $0x0  }
0x4: {  	s2 =	srdreg.scid;
	s10 =	stileid.u32;
	s30 =	simm.s32 $0x200  }
0x5: {  	s28 =	simm.s32 $0x2A00;
	s31 =	simm.s32 $0x2;
	s29 =	simm.s32 $0x6  }
0x6: {  	[smem:$0x7FF] =	sst s3;
	s4 =	sadd.s32 $0x600, s0;
	s2 =	sand.u32 $0x1, s2  }
0x7: {  	s5 =	sshll.u32 s10, $0xA;
	s14 =	sshll.u32 s10, $0xB;
	s8 =	sadd.s32 $0x200, s1  }
0x8: {  	s9 =	sadd.s32 $0x300, s1;
	s10 =	sshll.u32 s10, $0x11;
	_ =	strace $0x80000047  }
0x9: {  	s13 =	ssub.s32 $0x2, s2;
	s6 =	sshll.u32 s2, $0x9;
	s16 =	sand.u32 $0x6000, s14  }
0xa: {  	s10 =	sadd.s32 s10, s11;
	s2 =	sshll.u32 s2, $0x10;
	s14 =	simm.s32 $0x4A00  }
0xb: {  	s7 =	sshrl.u32 s13, $0x1;
	s12 =	sor.u32 s6, s5;
	s0 =	sor.u32 $0x1, s16  }
0xc: {  	s2 =	sadd.s32 s2, s10;
	s16 =	simm.s32 $0x1A00;
	s10 =	simm.s32 $0x5200  }
0xd: {  	s15 =	ssub.s32 s13, s7;
	s17 =	sshrl.u32 s12, $0x3;
	[dreg:$0x4] =	wrdreg s12  }
0xe: {  	s18 =	sshll.u32 s12, $0x7;
	[dreg:$0x11] =	wrdreg s2;
	s13 =	sadd.s32 s4, s17  }
0xf: {  	s7 =	sadd.s32 $0x100, s1;
	s6 =	smax.u32 s15, $0x1;
	[dreg:$0x5] =	wrdreg s13  }
0x10: {  	s5 =	sadd.s32 s18, s11;
	s13 =	sadd.s32 $0x8, s13;
	[dreg:$0xf] =	wrdreg s6  }
0x11: {  	s26 =	sor.u32 $0x80, s12;
	s19 =	sadd.s32 $0xE000, s5;
	[dreg:$0x6] =	wrdreg s13  }
0x12: {  	s2 =	simm.s32 $0xCA00;
	s20 =	sadd.s32 $0xE400, s5;
	[dreg:$0x7] =	wrdreg s19  }
0x13: {  	s12 =	simm.s32 $0xE200;
	s21 =	sadd.s32 $0xE800, s5;
	[dreg:$0x8] =	wrdreg s20  }
0x14: {  	s11 =	simm.s32 $0x11;
	s22 =	sadd.s32 $0xEC00, s5;
	[dreg:$0x9] =	wrdreg s21  }
0x15: {  	s15 =	simm.s32 $0x6200;
	s23 =	sadd.s32 $0xF000, s5;
	[dreg:$0xa] =	wrdreg s22  }
0x16: {  	s17 =	simm.s32 $0x6A00;
	s24 =	sadd.s32 $0xF400, s5;
	[dreg:$0xb] =	wrdreg s23  }
0x17: {  	s18 =	simm.s32 $0x8A00;
	s25 =	sadd.s32 $0xF800, s5;
	[dreg:$0xc] =	wrdreg s24  }
0x18: {  	s5 =	sadd.s32 $0xFC00, s5;
	s6 =	simm.s32 $0x8200;
	[dreg:$0xd] =	wrdreg s25  }
0x19: {  	[dreg:$0xe] =	wrdreg s5;
	s5 =	sshrl.u32 s26, $0x3;
	s23 =	simm.s32 $0x1200  }
0x1a: {  	s22 =	simm.s32 $0x2200;
	s26 =	simm.s32 $0x3200;
	s24 =	simm.s32 $0x3A00  }
0x1b: {  	v1 =	vlaneseq.u32;
	s13 =	simm.s32 $0x4200;
	s20 =	simm.s32 $0xA200;
	s21 =	simm.s32 $0xAA00  }
0x1c: {  	vm0 =	vmmov $0xffff;
	v2 =	vshrl.u32 v1, $0x3;
	s19 =	simm.s32 $0xC200;
	s25 =	simm.s32 $0xEA00;
	s4 =	sadd.s32 s5, s4  }
0x1d: {  	v1 =	vand.u32 $0x7, v1;
	v2 =	vmul.u32 $0x8, v2;
	v0 =	vmov s0;
	s5 =	simm.s32 $0xA00;
	[dreg:$0x10] =	wrdreg s4;
	s4 =	simm.s32 $0x0  }
.LBB2_1:
0x1e: {  	[dreg:$0x12] =	wrdreg s4  }
0x1f: {  	s0 =	rddreg [dreg:$0x5]  }
0x20: {  	[tilespmem:s3], [sflag:$0x11] =	stream.linear.gather [hbm4b:s0+s3], $0x40, $0x38;
	[tilespmem:$0x10200] =	vst v63  }
0x21: {  	_ =	swait.ge [sflag:s11], $0x40  }
0x22: {  	[sflag:s11] =	ssyncset.done $0x0  }
0x23: {  	[sflag:s11] =	ssyncadd.s32 $0xFFFFFFC0  }
0x24: {  	v3 =	vld [tilespmem:$0x0];
	_ =	sdelay $0x4  }
0x25: {  	v3 =	vadd.s32 v0, v3  }
0x26: {  	[tilespmem:$0x0] =	vst v3  }
0x27: {  	v3 =	vld.msk [tilespmem:$0x0], $0xff;
	_ =	sdelay $0x4  }
0x28: {  	v4 =	vshll.u32 v3, $0x3  }
0x29: {  	v5 =	vld [tilespmem:$0x10];
	v3 =	vand.u32 $0x7, v3;
	v4 =	vand.u32 $0xFFFFFFC0, v4  }
0x2a: {  	v6 =	vld [tilespmem:$0x20];
	v3 =	vor.u32 v3, v4  }
0x2b: {  	v55 =	vld [tilespmem:$0x30];
	v3 =	vperm.xlane v3, v1;
	_ =	sdelay $0x1  }
0x2c: {  	v3 =	vadd.s32 v2, v3  }
0x2d: {  	v5 =	vadd.s32 v0, v5  }
0x2e: {  	v56 =	vadd.s32 v0, v6;
	[tilespmem:$0x10] =	vst v5  }
0x2f: {  	[tilespmem:$0x20] =	vst v56;
	v4 =	vadd.s32 v0, v55  }
0x30: {  	[tilespmem:$0x30] =	vst v4  }
0x31: {  	[tilespmem:s30], [sflag:$0x1] =	stream.indirect_vreg.gather [hbm4b:s1+s3], $0x80, v3, vm0, $0xb8;
	[tilespmem:$0x10200] =	vst v63  }
0x32: {  	_ = 	snop  }
0x33: {  	[tilespmem:s5], [sflag:$0x1] =	stream.indirect_vreg.gather [hbm4b:s7+s3], $0x80, v3, vm0, $0xb8;
	[tilespmem:$0x10200] =	vst v63  }
0x34: {  	_ = 	snop  }
0x35: {  	[tilespmem:s23], [sflag:$0x1] =	stream.indirect_vreg.gather [hbm4b:s8+s3], $0x80, v3, vm0, $0xb8;
	[tilespmem:$0x10200] =	vst v63  }
0x36: {  	_ = 	snop  }
0x37: {  	[tilespmem:s16], [sflag:$0x1] =	stream.indirect_vreg.gather [hbm4b:s9+s3], $0x80, v3, vm0, $0xb8;
	[tilespmem:$0x10200] =	vst v63  }
0x38: {  	v3 =	vld.msk [tilespmem:$0x8], $0xff;
	_ =	sdelay $0x4  }
0x39: {  	v57 =	vshll.u32 v3, $0x3  }
0x3a: {  	v3 =	vand.u32 $0x7, v3;
	v4 =	vand.u32 $0xFFFFFFC0, v57  }
0x3b: {  	v3 =	vor.u32 v3, v4  }
0x3c: {  	v3 =	vperm.xlane v3, v1;
	_ =	sdelay $0x1  }
0x3d: {  	v3 =	vadd.s32 v2, v3;
	_ =	sdelay $0x4  }
0x3e: {  	[tilespmem:s22], [sflag:$0x2] =	stream.indirect_vreg.gather [hbm4b:s1+s3], $0x80, v3, vm0, $0xb8;
	[tilespmem:$0x10200] =	vst v63  }
0x3f: {  	_ = 	snop  }
0x40: {  	[tilespmem:s28], [sflag:$0x2] =	stream.indirect_vreg.gather [hbm4b:s7+s3], $0x80, v3, vm0, $0xb8;
	[tilespmem:$0x10200] =	vst v63  }
0x41: {  	_ = 	snop  }
0x42: {  	[tilespmem:s26], [sflag:$0x2] =	stream.indirect_vreg.gather [hbm4b:s8+s3], $0x80, v3, vm0, $0xb8;
	[tilespmem:$0x10200] =	vst v63  }
0x43: {  	_ = 	snop  }
0x44: {  	[tilespmem:s24], [sflag:$0x2] =	stream.indirect_vreg.gather [hbm4b:s9+s3], $0x80, v3, vm0, $0xb8;
	[tilespmem:$0x10200] =	vst v63  }
0x45: {  	v3 =	vld.msk [tilespmem:$0x10], $0xff;
	_ =	sdelay $0x4  }
0x46: {  	v58 =	vshll.u32 v3, $0x3  }
0x47: {  	v3 =	vand.u32 $0x7, v3;
	v4 =	vand.u32 $0xFFFFFFC0, v58  }
0x48: {  	v3 =	vor.u32 v3, v4  }
0x49: {  	v3 =	vperm.xlane v3, v1;
	_ =	sdelay $0x1  }
0x4a: {  	v3 =	vadd.s32 v2, v3;
	_ =	sdelay $0x4  }
0x4b: {  	[tilespmem:s13], [sflag:$0x3] =	stream.indirect_vreg.gather [hbm4b:s1+s3], $0x80, v3, vm0, $0xb8;
	[tilespmem:$0x10200] =	vst v63  }
0x4c: {  	_ = 	snop  }
0x4d: {  	[tilespmem:s14], [sflag:$0x3] =	stream.indirect_vreg.gather [hbm4b:s7+s3], $0x80, v3, vm0, $0xb8;
	[tilespmem:$0x10200] =	vst v63  }
0x4e: {  	_ = 	snop  }
0x4f: {  	[tilespmem:s10], [sflag:$0x3] =	stream.indirect_vreg.gather [hbm4b:s8+s3], $0x80, v3, vm0, $0xb8;
	[tilespmem:$0x10200] =	vst v63  }
0x50: {  	s14 =	simm.s32 $0x5A00  }
0x51: {  	[tilespmem:s14], [sflag:$0x3] =	stream.indirect_vreg.gather [hbm4b:s9+s3], $0x80, v3, vm0, $0xb8;
	[tilespmem:$0x10200] =	vst v63  }
0x52: {  	v3 =	vld.msk [tilespmem:$0x18], $0xff;
	_ =	sdelay $0x4  }
0x53: {  	v59 =	vshll.u32 v3, $0x3  }
0x54: {  	v3 =	vand.u32 $0x7, v3;
	v4 =	vand.u32 $0xFFFFFFC0, v59  }
0x55: {  	v3 =	vor.u32 v3, v4  }
0x56: {  	v3 =	vperm.xlane v3, v1;
	_ =	sdelay $0x1  }
0x57: {  	v3 =	vadd.s32 v2, v3;
	_ =	sdelay $0x4  }
0x58: {  	[tilespmem:s15], [sflag:$0x4] =	stream.indirect_vreg.gather [hbm4b:s1+s3], $0x80, v3, vm0, $0xb8;
	[tilespmem:$0x10200] =	vst v63  }
0x59: {  	_ = 	snop  }
0x5a: {  	[tilespmem:s17], [sflag:$0x4] =	stream.indirect_vreg.gather [hbm4b:s7+s3], $0x80, v3, vm0, $0xb8;
	[tilespmem:$0x10200] =	vst v63  }
0x5b: {  	s15 =	simm.s32 $0x7200  }
0x5c: {  	[tilespmem:s15], [sflag:$0x4] =	stream.indirect_vreg.gather [hbm4b:s8+s3], $0x80, v3, vm0, $0xb8;
	[tilespmem:$0x10200] =	vst v63  }
0x5d: {  	s16 =	simm.s32 $0x7A00  }
0x5e: {  	[tilespmem:s16], [sflag:$0x4] =	stream.indirect_vreg.gather [hbm4b:s9+s3], $0x80, v3, vm0, $0xb8;
	[tilespmem:$0x10200] =	vst v63  }
0x5f: {  	v3 =	vld.msk [tilespmem:$0x20], $0xff;
	_ =	sdelay $0x4  }
0x60: {  	v60 =	vshll.u32 v3, $0x3  }
0x61: {  	v3 =	vand.u32 $0x7, v3;
	v4 =	vand.u32 $0xFFFFFFC0, v60  }
0x62: {  	v3 =	vor.u32 v3, v4  }
0x63: {  	v3 =	vperm.xlane v3, v1;
	_ =	sdelay $0x1  }
0x64: {  	v3 =	vadd.s32 v2, v3;
	_ =	sdelay $0x4  }
0x65: {  	[tilespmem:s6], [sflag:$0x5] =	stream.indirect_vreg.gather [hbm4b:s1+s3], $0x80, v3, vm0, $0xb8;
	[tilespmem:$0x10200] =	vst v63  }
0x66: {  	_ = 	snop  }
0x67: {  	[tilespmem:s18], [sflag:$0x5] =	stream.indirect_vreg.gather [hbm4b:s7+s3], $0x80, v3, vm0, $0xb8;
	[tilespmem:$0x10200] =	vst v63  }
0x68: {  	s17 =	simm.s32 $0x9200  }
0x69: {  	[tilespmem:s17], [sflag:$0x5] =	stream.indirect_vreg.gather [hbm4b:s8+s3], $0x80, v3, vm0, $0xb8;
	[tilespmem:$0x10200] =	vst v63  }
0x6a: {  	s18 =	simm.s32 $0x9A00  }
0x6b: {  	[tilespmem:s18], [sflag:$0x5] =	stream.indirect_vreg.gather [hbm4b:s9+s3], $0x80, v3, vm0, $0xb8;
	[tilespmem:$0x10200] =	vst v63  }
0x6c: {  	v3 =	vld.msk [tilespmem:$0x28], $0xff;
	_ =	sdelay $0x4  }
0x6d: {  	v61 =	vshll.u32 v3, $0x3  }
0x6e: {  	v3 =	vand.u32 $0x7, v3;
	v4 =	vand.u32 $0xFFFFFFC0, v61  }
0x6f: {  	v3 =	vor.u32 v3, v4  }
0x70: {  	v3 =	vperm.xlane v3, v1;
	_ =	sdelay $0x1  }
0x71: {  	v3 =	vadd.s32 v2, v3;
	_ =	sdelay $0x4  }
0x72: {  	[tilespmem:s20], [sflag:$0x6] =	stream.indirect_vreg.gather [hbm4b:s1+s3], $0x80, v3, vm0, $0xb8;
	[tilespmem:$0x10200] =	vst v63  }
0x73: {  	_ = 	snop  }
0x74: {  	[tilespmem:s21], [sflag:$0x6] =	stream.indirect_vreg.gather [hbm4b:s7+s3], $0x80, v3, vm0, $0xb8;
	[tilespmem:$0x10200] =	vst v63  }
0x75: {  	s20 =	simm.s32 $0xB200  }
0x76: {  	[tilespmem:s20], [sflag:$0x6] =	stream.indirect_vreg.gather [hbm4b:s8+s3], $0x80, v3, vm0, $0xb8;
	[tilespmem:$0x10200] =	vst v63  }
0x77: {  	s21 =	simm.s32 $0xBA00  }
0x78: {  	[tilespmem:s21], [sflag:$0x6] =	stream.indirect_vreg.gather [hbm4b:s9+s3], $0x80, v3, vm0, $0xb8;
	[tilespmem:$0x10200] =	vst v63  }
0x79: {  	v3 =	vld.msk [tilespmem:$0x30], $0xff;
	_ =	sdelay $0x4  }
0x7a: {  	v62 =	vshll.u32 v3, $0x3  }
0x7b: {  	v3 =	vand.u32 $0x7, v3;
	v4 =	vand.u32 $0xFFFFFFC0, v62  }
0x7c: {  	v3 =	vor.u32 v3, v4  }
0x7d: {  	v3 =	vperm.xlane v3, v1;
	_ =	sdelay $0x1  }
0x7e: {  	v3 =	vadd.s32 v2, v3;
	_ =	sdelay $0x4  }
0x7f: {  	[tilespmem:s19], [sflag:$0x7] =	stream.indirect_vreg.gather [hbm4b:s1+s3], $0x80, v3, vm0, $0xb8;
	[tilespmem:$0x10200] =	vst v63  }
0x80: {  	_ = 	snop  }
0x81: {  	[tilespmem:s2], [sflag:$0x7] =	stream.indirect_vreg.gather [hbm4b:s7+s3], $0x80, v3, vm0, $0xb8;
	[tilespmem:$0x10200] =	vst v63  }
0x82: {  	s22 =	simm.s32 $0xD200  }
0x83: {  	[tilespmem:s22], [sflag:$0x7] =	stream.indirect_vreg.gather [hbm4b:s8+s3], $0x80, v3, vm0, $0xb8;
	[tilespmem:$0x10200] =	vst v63  }
0x84: {  	s23 =	simm.s32 $0xDA00  }
0x85: {  	[tilespmem:s23], [sflag:$0x7] =	stream.indirect_vreg.gather [hbm4b:s9+s3], $0x80, v3, vm0, $0xb8;
	[tilespmem:$0x10200] =	vst v63  }
0x86: {  	v3 =	vld.msk [tilespmem:$0x38], $0xff;
	_ =	sdelay $0x4  }
0x87: {  	v63 =	vshll.u32 v3, $0x3  }
0x88: {  	v3 =	vand.u32 $0x7, v3;
	v4 =	vand.u32 $0xFFFFFFC0, v63  }
0x89: {  	v3 =	vor.u32 v3, v4  }
0x8a: {  	v3 =	vperm.xlane v3, v1;
	_ =	sdelay $0x1  }
0x8b: {  	v3 =	vadd.s32 v2, v3;
	_ =	sdelay $0x4  }
0x8c: {  	[tilespmem:s12], [sflag:$0x8] =	stream.indirect_vreg.gather [hbm4b:s1+s3], $0x80, v3, vm0, $0xb8;
	[tilespmem:$0x10200] =	vst v63  }
0x8d: {  	_ = 	snop  }
0x8e: {  	[tilespmem:s25], [sflag:$0x8] =	stream.indirect_vreg.gather [hbm4b:s7+s3], $0x80, v3, vm0, $0xb8;
	[tilespmem:$0x10200] =	vst v63  }
0x8f: {  	s4 =	simm.s32 $0x5;
	s0 =	simm.s32 $0x0;
	s24 =	simm.s32 $0xF200  }
0x90: {  	[tilespmem:s24], [sflag:$0x8] =	stream.indirect_vreg.gather [hbm4b:s8+s3], $0x80, v3, vm0, $0xb8;
	[tilespmem:$0x10200] =	vst v63  }
0x91: {  	s30 =	simm.s32 $0x40;
	s5 =	rddreg [dreg:$0x11];
	s25 =	simm.s32 $0xFA00  }
0x92: {  	[tilespmem:s25], [sflag:$0x8] =	stream.indirect_vreg.gather [hbm4b:s9+s3], $0x80, v3, vm0, $0xb8;
	[tilespmem:$0x10200] =	vst v63  }
0x93: {  	s28 =	simm.s32 $0x0;
	s26 =	rddreg [dreg:$0x6];
	s10 =	simm.s32 $0x3  }
0x94: {  	[tilespmem:s30], [sflag:$0x11] =	stream.linear.gather [hbm4b:s26+s3], $0x40, $0x38;
	[tilespmem:$0x10200] =	vst v63  }
0x95: {  	s23 =	rddreg [dreg:$0x10];
	s24 =	simm.s32 $0x4;
	s26 =	simm.s32 $0x1  }
.LBB2_2:
0x96: {  	_ =	swait.ge [sflag:s11], $0x40  }
0x97: {  	[sflag:s11] =	ssyncset.done $0x0  }
0x98: {  	s12 =	sshra.s32 s28, $0x2;
	[sflag:s11] =	ssyncadd.s32 $0xFFFFFFC0  }
0x99: {  	v3 =	vld [tilespmem:s12+$0x40]  }
0x9a: {  	v4 =	vld [tilespmem:s12+$0x50]  }
0x9b: {  	v5 =	vld [tilespmem:s12+$0x60]  }
0x9c: {  	v6 =	vld [tilespmem:s12+$0x70];
	_ =	sdelay $0x1  }
0x9d: {  	v3 =	vadd.s32 v0, v3  }
0x9e: {  	[tilespmem:s12+$0x40] =	vst v3;
	v3 =	vadd.s32 v0, v4  }
0x9f: {  	p0 =	seq.s32 s28, $0x600;
	[tilespmem:s12+$0x50] =	vst v3;
	v3 =	vadd.s32 v0, v5  }
0xa0: {  	s16 =	sshra.s32 @!p0 s28, $0x2;
	[tilespmem:s12+$0x60] =	vst v3;
	v3 =	vadd.s32 v0, v6  }
0xa1: {  	s19 =	simm.s32 @!p0 $0x0;
	s16 =	sadd.s32 @!p0 $0x80, s16;
	[tilespmem:s12+$0x70] =	vst v3  }
0xa2: {  	[tilespmem:s16], [sflag:$0x11] =	stream.linear.gather @!p0 [hbm4b:s23+s19], $0x40, $0x38;
	[tilespmem:$0x10200] =	vst v63  }
0xa3: {  	_ =	swait.ge [sflag:s26], $0x2000  }
0xa4: {  	[sflag:s26] =	ssyncset.done $0x0  }
0xa5: {  	s18 =	simm.s32 $0x200;
	s2 =	simm.s32 $0x9;
	[sflag:s26] =	ssyncadd.s32 $0xFFFFE000  }
0xa6: {  	[hbm4b:s5+s3] =	stream.linear.scatter [tilespmem:s18], [sflag:$0x9], $0x2000, $0x38;
	[tilespmem:$0x10200] =	vst v63  }
0xa7: {  	_ =	swait.ge [sflag:s2], $0x2000  }
0xa8: {  	[sflag:s2] =	ssyncset.done $0x0  }
0xa9: {  	[sflag:s2] =	ssyncadd.s32 $0xFFFFE000  }
0xaa: {  	v3 =	vld.msk [tilespmem:s12+$0x40], $0xff;
	_ =	sdelay $0x4  }
0xab: {  	v56 =	vshll.u32 v3, $0x3  }
0xac: {  	v3 =	vand.u32 $0x7, v3;
	v4 =	vand.u32 $0xFFFFFFC0, v56  }
0xad: {  	v3 =	vor.u32 v3, v4  }
0xae: {  	v3 =	vperm.xlane v3, v1;
	_ =	sdelay $0x1  }
0xaf: {  	v3 =	vadd.s32 v2, v3;
	_ =	sdelay $0x4  }
0xb0: {  	[tilespmem:s18], [sflag:$0x1] =	stream.indirect_vreg.gather [hbm4b:s1+s3], $0x80, v3, vm0, $0xb8;
	[tilespmem:$0x10200] =	vst v63  }
0xb1: {  	s19 =	simm.s32 $0xA00  }
0xb2: {  	[tilespmem:s19], [sflag:$0x1] =	stream.indirect_vreg.gather [hbm4b:s7+s3], $0x80, v3, vm0, $0xb8;
	[tilespmem:$0x10200] =	vst v63  }
0xb3: {  	s20 =	simm.s32 $0x1200  }
0xb4: {  	[tilespmem:s20], [sflag:$0x1] =	stream.indirect_vreg.gather [hbm4b:s8+s3], $0x80, v3, vm0, $0xb8;
	[tilespmem:$0x10200] =	vst v63  }
0xb5: {  	s21 =	simm.s32 $0x1A00;
	s16 =	smov.u32 s0  }
0xb6: {  	[tilespmem:s21], [sflag:$0x1] =	stream.indirect_vreg.gather [hbm4b:s9+s3], $0x80, v3, vm0, $0xb8;
	[tilespmem:$0x10200] =	vst v63  }
0xb7: {  	s16 =	simm.s32 @p0 $0x180;
	s22 =	rddreg [dreg:$0x4];
	_ =	swait.ge [sflag:s31], $0x2000  }
0xb8: {  	s16 =	sadd.s32 s16, s22;
	[sflag:s31] =	ssyncset.done $0x0  }
0xb9: {  	s16 =	sshll.u32 s16, $0x7;
	s25 =	rddreg [dreg:$0x2]  }
0xba: {  	s6 =	simm.s32 $0x2200;
	s16 =	sadd.s32 s25, s16  }
0xbb: {  	s13 =	simm.s32 $0xA;
	[sflag:s31] =	ssyncadd.s32 $0xFFFFE000;
	s2 =	sadd.s32 $0x400, s16  }
0xbc: {  	[hbm4b:s2+s3] =	stream.linear.scatter [tilespmem:s6], [sflag:$0xA], $0x2000, $0x38;
	[tilespmem:$0x10200] =	vst v63  }
0xbd: {  	_ =	swait.ge [sflag:s13], $0x2000  }
0xbe: {  	[sflag:s13] =	ssyncset.done $0x0  }
0xbf: {  	[sflag:s13] =	ssyncadd.s32 $0xFFFFE000  }
0xc0: {  	v3 =	vld.msk [tilespmem:s12+$0x48], $0xff;
	_ =	sdelay $0x4  }
0xc1: {  	v57 =	vshll.u32 v3, $0x3  }
0xc2: {  	v3 =	vand.u32 $0x7, v3;
	v4 =	vand.u32 $0xFFFFFFC0, v57  }
0xc3: {  	v3 =	vor.u32 v3, v4  }
0xc4: {  	v3 =	vperm.xlane v3, v1;
	_ =	sdelay $0x1  }
0xc5: {  	v3 =	vadd.s32 v2, v3;
	_ =	sdelay $0x4  }
0xc6: {  	[tilespmem:s6], [sflag:$0x2] =	stream.indirect_vreg.gather [hbm4b:s1+s3], $0x80, v3, vm0, $0xb8;
	[tilespmem:$0x10200] =	vst v63  }
0xc7: {  	s14 =	simm.s32 $0x2A00  }
0xc8: {  	[tilespmem:s14], [sflag:$0x2] =	stream.indirect_vreg.gather [hbm4b:s7+s3], $0x80, v3, vm0, $0xb8;
	[tilespmem:$0x10200] =	vst v63  }
0xc9: {  	s15 =	simm.s32 $0x3200  }
0xca: {  	[tilespmem:s15], [sflag:$0x2] =	stream.indirect_vreg.gather [hbm4b:s8+s3], $0x80, v3, vm0, $0xb8;
	[tilespmem:$0x10200] =	vst v63  }
0xcb: {  	s17 =	simm.s32 $0x3A00  }
0xcc: {  	[tilespmem:s17], [sflag:$0x2] =	stream.indirect_vreg.gather [hbm4b:s9+s3], $0x80, v3, vm0, $0xb8;
	[tilespmem:$0x10200] =	vst v63  }
0xcd: {  	_ =	swait.ge [sflag:s10], $0x2000  }
0xce: {  	s20 =	simm.s32 $0xB;
	[sflag:s10] =	ssyncset.done $0x0  }
0xcf: {  	s18 =	sadd.s32 $0x800, s16;
	s14 =	simm.s32 $0x4200;
	[sflag:s10] =	ssyncadd.s32 $0xFFFFE000  }
0xd0: {  	[hbm4b:s18+s3] =	stream.linear.scatter [tilespmem:s14], [sflag:$0xB], $0x2000, $0x38;
	[tilespmem:$0x10200] =	vst v63  }
0xd1: {  	_ =	swait.ge [sflag:s20], $0x2000  }
0xd2: {  	[sflag:s20] =	ssyncset.done $0x0  }
0xd3: {  	[sflag:s20] =	ssyncadd.s32 $0xFFFFE000  }
0xd4: {  	v3 =	vld.msk [tilespmem:s12+$0x50], $0xff;
	_ =	sdelay $0x4  }
0xd5: {  	v58 =	vshll.u32 v3, $0x3  }
0xd6: {  	v3 =	vand.u32 $0x7, v3;
	v4 =	vand.u32 $0xFFFFFFC0, v58  }
0xd7: {  	v3 =	vor.u32 v3, v4  }
0xd8: {  	v3 =	vperm.xlane v3, v1;
	_ =	sdelay $0x1  }
0xd9: {  	v3 =	vadd.s32 v2, v3;
	_ =	sdelay $0x4  }
0xda: {  	[tilespmem:s14], [sflag:$0x3] =	stream.indirect_vreg.gather [hbm4b:s1+s3], $0x80, v3, vm0, $0xb8;
	[tilespmem:$0x10200] =	vst v63  }
0xdb: {  	s14 =	simm.s32 $0x4A00  }
0xdc: {  	[tilespmem:s14], [sflag:$0x3] =	stream.indirect_vreg.gather [hbm4b:s7+s3], $0x80, v3, vm0, $0xb8;
	[tilespmem:$0x10200] =	vst v63  }
0xdd: {  	s21 =	simm.s32 $0x5200  }
0xde: {  	[tilespmem:s21], [sflag:$0x3] =	stream.indirect_vreg.gather [hbm4b:s8+s3], $0x80, v3, vm0, $0xb8;
	[tilespmem:$0x10200] =	vst v63  }
0xdf: {  	s25 =	simm.s32 $0x5A00  }
0xe0: {  	[tilespmem:s25], [sflag:$0x3] =	stream.indirect_vreg.gather [hbm4b:s9+s3], $0x80, v3, vm0, $0xb8;
	[tilespmem:$0x10200] =	vst v63  }
0xe1: {  	_ =	swait.ge [sflag:s24], $0x2000  }
0xe2: {  	s6 =	sadd.s32 $0xC00, s16;
	[sflag:s24] =	ssyncset.done $0x0  }
0xe3: {  	s15 =	simm.s32 $0xC;
	s17 =	simm.s32 $0x6200;
	[sflag:s24] =	ssyncadd.s32 $0xFFFFE000  }
0xe4: {  	[hbm4b:s6+s3] =	stream.linear.scatter [tilespmem:s17], [sflag:$0xC], $0x2000, $0x38;
	[tilespmem:$0x10200] =	vst v63  }
0xe5: {  	_ =	swait.ge [sflag:s15], $0x2000  }
0xe6: {  	[sflag:s15] =	ssyncset.done $0x0  }
0xe7: {  	[sflag:s15] =	ssyncadd.s32 $0xFFFFE000  }
0xe8: {  	v3 =	vld.msk [tilespmem:s12+$0x58], $0xff;
	_ =	sdelay $0x4  }
0xe9: {  	v59 =	vshll.u32 v3, $0x3  }
0xea: {  	v3 =	vand.u32 $0x7, v3;
	v4 =	vand.u32 $0xFFFFFFC0, v59  }
0xeb: {  	v3 =	vor.u32 v3, v4  }
0xec: {  	v3 =	vperm.xlane v3, v1;
	_ =	sdelay $0x1  }
0xed: {  	v3 =	vadd.s32 v2, v3;
	_ =	sdelay $0x4  }
0xee: {  	[tilespmem:s17], [sflag:$0x4] =	stream.indirect_vreg.gather [hbm4b:s1+s3], $0x80, v3, vm0, $0xb8;
	[tilespmem:$0x10200] =	vst v63  }
0xef: {  	s17 =	simm.s32 $0x6A00  }
0xf0: {  	[tilespmem:s17], [sflag:$0x4] =	stream.indirect_vreg.gather [hbm4b:s7+s3], $0x80, v3, vm0, $0xb8;
	[tilespmem:$0x10200] =	vst v63  }
0xf1: {  	s18 =	simm.s32 $0x7200  }
0xf2: {  	[tilespmem:s18], [sflag:$0x4] =	stream.indirect_vreg.gather [hbm4b:s8+s3], $0x80, v3, vm0, $0xb8;
	[tilespmem:$0x10200] =	vst v63  }
0xf3: {  	s19 =	simm.s32 $0x7A00  }
0xf4: {  	[tilespmem:s19], [sflag:$0x4] =	stream.indirect_vreg.gather [hbm4b:s9+s3], $0x80, v3, vm0, $0xb8;
	[tilespmem:$0x10200] =	vst v63  }
0xf5: {  	_ =	swait.ge [sflag:s4], $0x2000  }
0xf6: {  	s20 =	sadd.s32 $0x1000, s16;
	[sflag:s4] =	ssyncset.done $0x0  }
0xf7: {  	s21 =	simm.s32 $0xD;
	s18 =	simm.s32 $0x8200;
	[sflag:s4] =	ssyncadd.s32 $0xFFFFE000  }
0xf8: {  	[hbm4b:s20+s3] =	stream.linear.scatter [tilespmem:s18], [sflag:$0xD], $0x2000, $0x38;
	[tilespmem:$0x10200] =	vst v63  }
0xf9: {  	_ =	swait.ge [sflag:s21], $0x2000  }
0xfa: {  	[sflag:s21] =	ssyncset.done $0x0  }
0xfb: {  	[sflag:s21] =	ssyncadd.s32 $0xFFFFE000  }
0xfc: {  	v3 =	vld.msk [tilespmem:s12+$0x60], $0xff;
	_ =	sdelay $0x4  }
0xfd: {  	v60 =	vshll.u32 v3, $0x3  }
0xfe: {  	v3 =	vand.u32 $0x7, v3;
	v4 =	vand.u32 $0xFFFFFFC0, v60  }
0xff: {  	v3 =	vor.u32 v3, v4  }
0x100: {  	v3 =	vperm.xlane v3, v1;
	_ =	sdelay $0x1  }
0x101: {  	v3 =	vadd.s32 v2, v3;
	_ =	sdelay $0x4  }
0x102: {  	[tilespmem:s18], [sflag:$0x5] =	stream.indirect_vreg.gather [hbm4b:s1+s3], $0x80, v3, vm0, $0xb8;
	[tilespmem:$0x10200] =	vst v63  }
0x103: {  	s18 =	simm.s32 $0x8A00  }
0x104: {  	[tilespmem:s18], [sflag:$0x5] =	stream.indirect_vreg.gather [hbm4b:s7+s3], $0x80, v3, vm0, $0xb8;
	[tilespmem:$0x10200] =	vst v63  }
0x105: {  	s25 =	simm.s32 $0x9200  }
0x106: {  	[tilespmem:s25], [sflag:$0x5] =	stream.indirect_vreg.gather [hbm4b:s8+s3], $0x80, v3, vm0, $0xb8;
	[tilespmem:$0x10200] =	vst v63  }
0x107: {  	s19 =	simm.s32 $0x9A00  }
0x108: {  	[tilespmem:s19], [sflag:$0x5] =	stream.indirect_vreg.gather [hbm4b:s9+s3], $0x80, v3, vm0, $0xb8;
	[tilespmem:$0x10200] =	vst v63  }
0x109: {  	_ =	swait.ge [sflag:s29], $0x2000  }
0x10a: {  	s20 =	sadd.s32 $0x1400, s16;
	[sflag:s29] =	ssyncset.done $0x0  }
0x10b: {  	s21 =	simm.s32 $0xA200;
	s25 =	simm.s32 $0xE;
	[sflag:s29] =	ssyncadd.s32 $0xFFFFE000  }
0x10c: {  	[hbm4b:s20+s3] =	stream.linear.scatter [tilespmem:s21], [sflag:$0xE], $0x2000, $0x38;
	[tilespmem:$0x10200] =	vst v63  }
0x10d: {  	_ =	swait.ge [sflag:s25], $0x2000  }
0x10e: {  	[sflag:s25] =	ssyncset.done $0x0  }
0x10f: {  	[sflag:s25] =	ssyncadd.s32 $0xFFFFE000  }
0x110: {  	v3 =	vld.msk [tilespmem:s12+$0x68], $0xff;
	_ =	sdelay $0x4  }
0x111: {  	v61 =	vshll.u32 v3, $0x3  }
0x112: {  	v3 =	vand.u32 $0x7, v3;
	v4 =	vand.u32 $0xFFFFFFC0, v61  }
0x113: {  	v3 =	vor.u32 v3, v4  }
0x114: {  	v3 =	vperm.xlane v3, v1;
	_ =	sdelay $0x1  }
0x115: {  	v3 =	vadd.s32 v2, v3;
	_ =	sdelay $0x4  }
0x116: {  	[tilespmem:s21], [sflag:$0x6] =	stream.indirect_vreg.gather [hbm4b:s1+s3], $0x80, v3, vm0, $0xb8;
	[tilespmem:$0x10200] =	vst v63  }
0x117: {  	s21 =	simm.s32 $0xAA00  }
0x118: {  	[tilespmem:s21], [sflag:$0x6] =	stream.indirect_vreg.gather [hbm4b:s7+s3], $0x80, v3, vm0, $0xb8;
	[tilespmem:$0x10200] =	vst v63  }
0x119: {  	s19 =	simm.s32 $0xB200  }
0x11a: {  	[tilespmem:s19], [sflag:$0x6] =	stream.indirect_vreg.gather [hbm4b:s8+s3], $0x80, v3, vm0, $0xb8;
	[tilespmem:$0x10200] =	vst v63  }
0x11b: {  	s25 =	simm.s32 $0xBA00;
	s19 =	simm.s32 $0x7  }
0x11c: {  	[tilespmem:s25], [sflag:$0x6] =	stream.indirect_vreg.gather [hbm4b:s9+s3], $0x80, v3, vm0, $0xb8;
	[tilespmem:$0x10200] =	vst v63  }
0x11d: {  	_ =	swait.ge [sflag:s19], $0x2000  }
0x11e: {  	[sflag:s19] =	ssyncset.done $0x0  }
0x11f: {  	s2 =	simm.s32 $0xC200;
	s25 =	sadd.s32 $0x1800, s16;
	[sflag:s19] =	ssyncadd.s32 $0xFFFFE000  }
0x120: {  	[hbm4b:s25+s3] =	stream.linear.scatter [tilespmem:s2], [sflag:$0xF], $0x2000, $0x38;
	[tilespmem:$0x10200] =	vst v63  }
0x121: {  	s25 =	simm.s32 $0xF  }
0x122: {  	_ =	swait.ge [sflag:s25], $0x2000  }
0x123: {  	[sflag:s25] =	ssyncset.done $0x0  }
0x124: {  	[sflag:s25] =	ssyncadd.s32 $0xFFFFE000  }
0x125: {  	v3 =	vld.msk [tilespmem:s12+$0x70], $0xff;
	_ =	sdelay $0x4  }
0x126: {  	v62 =	vshll.u32 v3, $0x3  }
0x127: {  	v3 =	vand.u32 $0x7, v3;
	v4 =	vand.u32 $0xFFFFFFC0, v62  }
0x128: {  	v3 =	vor.u32 v3, v4  }
0x129: {  	v3 =	vperm.xlane v3, v1;
	_ =	sdelay $0x1  }
0x12a: {  	v3 =	vadd.s32 v2, v3;
	_ =	sdelay $0x4  }
0x12b: {  	[tilespmem:s2], [sflag:$0x7] =	stream.indirect_vreg.gather [hbm4b:s1+s3], $0x80, v3, vm0, $0xb8;
	[tilespmem:$0x10200] =	vst v63  }
0x12c: {  	s2 =	simm.s32 $0xCA00  }
0x12d: {  	[tilespmem:s2], [sflag:$0x7] =	stream.indirect_vreg.gather [hbm4b:s7+s3], $0x80, v3, vm0, $0xb8;
	[tilespmem:$0x10200] =	vst v63  }
0x12e: {  	s25 =	simm.s32 $0xD200  }
0x12f: {  	[tilespmem:s25], [sflag:$0x7] =	stream.indirect_vreg.gather [hbm4b:s8+s3], $0x80, v3, vm0, $0xb8;
	[tilespmem:$0x10200] =	vst v63  }
0x130: {  	s25 =	simm.s32 $0xDA00  }
0x131: {  	[tilespmem:s25], [sflag:$0x7] =	stream.indirect_vreg.gather [hbm4b:s9+s3], $0x80, v3, vm0, $0xb8;
	[tilespmem:$0x10200] =	vst v63  }
0x132: {  	s25 =	simm.s32 $0x8  }
0x133: {  	_ =	swait.ge [sflag:s25], $0x2000  }
0x134: {  	[sflag:s25] =	ssyncset.done $0x0  }
0x135: {  	s16 =	sadd.s32 $0x1C00, s16;
	[sflag:s25] =	ssyncadd.s32 $0xFFFFE000;
	s25 =	simm.s32 $0xE200  }
0x136: {  	[hbm4b:s16+s3] =	stream.linear.scatter [tilespmem:s25], [sflag:$0x10], $0x2000, $0x38;
	[tilespmem:$0x10200] =	vst v63  }
0x137: {  	s16 =	simm.s32 $0x10  }
0x138: {  	_ =	swait.ge [sflag:s16], $0x2000  }
0x139: {  	[sflag:s16] =	ssyncset.done $0x0  }
0x13a: {  	[sflag:s16] =	ssyncadd.s32 $0xFFFFE000  }
0x13b: {  	v3 =	vld.msk [tilespmem:s12+$0x78], $0xff;
	_ =	sdelay $0x4  }
0x13c: {  	v63 =	vshll.u32 v3, $0x3  }
0x13d: {  	v3 =	vand.u32 $0x7, v3;
	v4 =	vand.u32 $0xFFFFFFC0, v63  }
0x13e: {  	v3 =	vor.u32 v3, v4  }
0x13f: {  	v3 =	vperm.xlane v3, v1;
	_ =	sdelay $0x1  }
0x140: {  	v3 =	vadd.s32 v2, v3;
	_ =	sdelay $0x2  }
0x141: {  	s30 =	simm.s32 $0x200;
	s28 =	sadd.s32 $0x100, s28;
	s11 =	simm.s32 $0x11  }
0x142: {  	s0 =	sadd.s32 $0x40, s0;
	s23 =	sadd.s32 $0x8, s23;
	p0 =	sne.s32 s28, $0x700  }
0x143: {  	[tilespmem:s25], [sflag:$0x8] =	stream.indirect_vreg.gather [hbm4b:s1+s3], $0x80, v3, vm0, $0xb8;
	[tilespmem:$0x10200] =	vst v63  }
0x144: {  	s5 =	sadd.s32 $0x2000, s5;
	s22 =	simm.s32 $0x2200;
	s25 =	simm.s32 $0xEA00  }
0x145: {  	[tilespmem:s25], [sflag:$0x8] =	stream.indirect_vreg.gather [hbm4b:s7+s3], $0x80, v3, vm0, $0xb8;
	[tilespmem:$0x10200] =	vst v63  }
.Ltmp0:
0x146: {  	s13 =	simm.s32 $0x4200;
	s6 =	simm.s32 $0x8200;
	(pc) =	sbr.rel @p0 .LBB2_2-.Ltmp0, $4  }
0x147: {  	s15 =	simm.s32 $0x6200;
	s20 =	simm.s32 $0xA200;
	s16 =	simm.s32 $0xF200  }
0x148: {  	[tilespmem:s16], [sflag:$0x8] =	stream.indirect_vreg.gather [hbm4b:s8+s3], $0x80, v3, vm0, $0xb8;
	[tilespmem:$0x10200] =	vst v63  }
0x149: {  	s19 =	simm.s32 $0xC200;
	s12 =	simm.s32 $0xE200;
	s16 =	simm.s32 $0xFA00  }
0x14a: {  	[tilespmem:s16], [sflag:$0x8] =	stream.indirect_vreg.gather [hbm4b:s9+s3], $0x80, v3, vm0, $0xb8;
	[tilespmem:$0x10200] =	vst v63  }
0x14b: {  	_ =	swait.ge [sflag:s26], $0x2000  }
0x14c: {  	[sflag:s26] =	ssyncset.done $0x0  }
0x14d: {  	s0 =	rddreg [dreg:$0x7];
	[sflag:s26] =	ssyncadd.s32 $0xFFFFE000  }
0x14e: {  	[hbm4b:s0+s3] =	stream.linear.scatter [tilespmem:s30], [sflag:$0x9], $0x2000, $0x38;
	[tilespmem:$0x10200] =	vst v63  }
0x14f: {  	_ =	swait.ge [sflag:s31], $0x2000  }
0x150: {  	[sflag:s31] =	ssyncset.done $0x0  }
0x151: {  	s16 =	rddreg [dreg:$0x8];
	[sflag:s31] =	ssyncadd.s32 $0xFFFFE000  }
0x152: {  	[hbm4b:s16+s3] =	stream.linear.scatter [tilespmem:s22], [sflag:$0xA], $0x2000, $0x38;
	[tilespmem:$0x10200] =	vst v63  }
0x153: {  	_ =	swait.ge [sflag:s10], $0x2000  }
0x154: {  	[sflag:s10] =	ssyncset.done $0x0  }
0x155: {  	s23 =	rddreg [dreg:$0x9];
	[sflag:s10] =	ssyncadd.s32 $0xFFFFE000  }
0x156: {  	[hbm4b:s23+s3] =	stream.linear.scatter [tilespmem:s13], [sflag:$0xB], $0x2000, $0x38;
	[tilespmem:$0x10200] =	vst v63  }
0x157: {  	_ =	swait.ge [sflag:s24], $0x2000  }
0x158: {  	[sflag:s24] =	ssyncset.done $0x0  }
0x159: {  	[sflag:s24] =	ssyncadd.s32 $0xFFFFE000;
	s24 =	rddreg [dreg:$0xa]  }
0x15a: {  	[hbm4b:s24+s3] =	stream.linear.scatter [tilespmem:s15], [sflag:$0xC], $0x2000, $0x38;
	[tilespmem:$0x10200] =	vst v63  }
0x15b: {  	_ =	swait.ge [sflag:s4], $0x2000  }
0x15c: {  	[sflag:s4] =	ssyncset.done $0x0  }
0x15d: {  	s26 =	rddreg [dreg:$0xb];
	[sflag:s4] =	ssyncadd.s32 $0xFFFFE000  }
0x15e: {  	[hbm4b:s26+s3] =	stream.linear.scatter [tilespmem:s6], [sflag:$0xD], $0x2000, $0x38;
	[tilespmem:$0x10200] =	vst v63  }
0x15f: {  	_ =	swait.ge [sflag:s29], $0x2000  }
0x160: {  	[sflag:s29] =	ssyncset.done $0x0  }
0x161: {  	s5 =	simm.s32 $0x7;
	s4 =	rddreg [dreg:$0xc];
	[sflag:s29] =	ssyncadd.s32 $0xFFFFE000  }
0x162: {  	[hbm4b:s4+s3] =	stream.linear.scatter [tilespmem:s20], [sflag:$0xE], $0x2000, $0x38;
	[tilespmem:$0x10200] =	vst v63  }
0x163: {  	_ =	swait.ge [sflag:s5], $0x2000  }
0x164: {  	[sflag:s5] =	ssyncset.done $0x0  }
0x165: {  	s16 =	simm.s32 $0x8;
	s10 =	rddreg [dreg:$0xd];
	[sflag:s5] =	ssyncadd.s32 $0xFFFFE000  }
0x166: {  	[hbm4b:s10+s3] =	stream.linear.scatter [tilespmem:s19], [sflag:$0xF], $0x2000, $0x38;
	[tilespmem:$0x10200] =	vst v63  }
0x167: {  	_ =	swait.ge [sflag:s16], $0x2000  }
0x168: {  	[sflag:s16] =	ssyncset.done $0x0  }
0x169: {  	s24 =	simm.s32 $0x9;
	s23 =	rddreg [dreg:$0xe];
	[sflag:s16] =	ssyncadd.s32 $0xFFFFE000  }
0x16a: {  	[hbm4b:s23+s3] =	stream.linear.scatter [tilespmem:s12], [sflag:$0x10], $0x2000, $0x38;
	[tilespmem:$0x10200] =	vst v63  }
0x16b: {  	_ =	swait.ge [sflag:s24], $0x2000  }
0x16c: {  	[sflag:s24] =	ssyncset.done $0x0  }
0x16d: {  	s26 =	simm.s32 $0xA;
	[sflag:s24] =	ssyncadd.s32 $0xFFFFE000  }
0x16e: {  	_ =	swait.ge [sflag:s26], $0x2000  }
0x16f: {  	[sflag:s26] =	ssyncset.done $0x0  }
0x170: {  	s4 =	simm.s32 $0xB;
	[sflag:s26] =	ssyncadd.s32 $0xFFFFE000  }
0x171: {  	_ =	swait.ge [sflag:s4], $0x2000  }
0x172: {  	[sflag:s4] =	ssyncset.done $0x0  }
0x173: {  	s5 =	simm.s32 $0xC;
	[sflag:s4] =	ssyncadd.s32 $0xFFFFE000  }
0x174: {  	_ =	swait.ge [sflag:s5], $0x2000  }
0x175: {  	[sflag:s5] =	ssyncset.done $0x0  }
0x176: {  	s10 =	simm.s32 $0xD;
	[sflag:s5] =	ssyncadd.s32 $0xFFFFE000  }
0x177: {  	_ =	swait.ge [sflag:s10], $0x2000  }
0x178: {  	[sflag:s10] =	ssyncset.done $0x0  }
0x179: {  	s16 =	simm.s32 $0xE;
	[sflag:s10] =	ssyncadd.s32 $0xFFFFE000  }
0x17a: {  	_ =	swait.ge [sflag:s16], $0x2000  }
0x17b: {  	[sflag:s16] =	ssyncset.done $0x0  }
0x17c: {  	s23 =	simm.s32 $0xF;
	[sflag:s16] =	ssyncadd.s32 $0xFFFFE000  }
0x17d: {  	_ =	swait.ge [sflag:s23], $0x2000  }
0x17e: {  	[sflag:s23] =	ssyncset.done $0x0  }
0x17f: {  	s5 =	simm.s32 $0x10;
	[sflag:s23] =	ssyncadd.s32 $0xFFFFE000  }
0x180: {  	_ =	swait.ge [sflag:s5], $0x2000  }
0x181: {  	s24 =	rddreg [dreg:$0x12]  }
0x182: {  	s26 =	rddreg [dreg:$0xf];
	s4 =	sadd.s32 $0x1, s24  }
0x183: {  	p0 =	sne.s32 s4, s26  }
.Ltmp1:
0x184: {  	_ = 	snop;
	(pc) =	sbr.rel @p0 .LBB2_1-.Ltmp1, $4  }
0x185: {  	_ = 	snop  }
0x186: {  	s28 =	simm.s32 $0x2A00;
	s10 =	simm.s32 $0x5200;
	[sflag:s5] =	ssyncset.done $0x0  }
0x187: {  	s16 =	simm.s32 $0x1A00;
	s23 =	simm.s32 $0x1200;
	[sflag:s5] =	ssyncadd.s32 $0xFFFFE000  }
0x188: {  	s5 =	simm.s32 $0xA00;
	s24 =	simm.s32 $0x3A00;
	s26 =	simm.s32 $0x3200  }
0x189: {  	_ =	sfence.sel $0x180000  }
0x18a: {  	[bflag:$0x0] =	sbarrier.arrive $0xFFFF  }
0x18b: {  	_ =	strace $0x90000047  }
0x18c: {  	s0 =	stileid.u32;
	[bflag:$0x2] =	sbarrier.arrive $0xFFFF  }
0x18d: {  	p0 =	sne.s32 s0, $0x0;
	s0 =	rddreg [dreg:$0x3]  }
0x18e: {  	s0 =	sadd.s32 @!p0 $0x100000, s0  }
0x18f: {  	[sflag:s0] =	ssyncadd.tile.s32 @!p0 $0x1;
	_ =	shalt  }
.Lfunc_end2:
_tile_overlayer_lowered:
.L_overlay_start_2:
0x190: {  	(tag) =	ssettag $0x2  }
0x191: {  	s0 =	rddreg [dreg:$0x0];
	s2 =	stileid.u32  }
0x192: {  	s1 =	rddreg [dreg:$0x1];
	p0 =	sne.s32 s2, $0x0  }
0x193: {  	s3 =	rddreg [dreg:$0x2];
	[bflag:$0x3] =	sbarrier.arrive $0xFFFF;
	s2 =	simm.s32 @!p0 $0x1C12  }
0x194: {  	[timem:s3], [sflag:s2] =	dma.local @!p0 [hbm:s0], s1  }
0x195: {  	s0 =	simm.s32 @!p0 $0x12  }
0x196: {  	_ =	swait.ge @!p0 [sflag:s0], s1  }
0x197: {  	s1 =	ssub.s32 @!p0 $0x0, s1;
	[sflag:s0] =	ssyncset.done @!p0 $0x0  }
0x198: {  	[sflag:s0] =	ssyncadd.s32 @!p0 s1  }
0x199: {  	[bflag:$0x3] =	sbarrier.arrive $0xFFFF  }
0x19a: {  	_ =	shalt  }

</sc_bundles>
